<compile_context>
chip_gen: v7x
topology: tpu7x:2x2x1
jax: 0.10.2.dev20260603
libtpu: 0.0.44.dev20260713+nightly
codegen_flags: <defaults>
</compile_context>

<pallas_src>
import jax
import jax.numpy as jnp
from jax.experimental import pallas as pl
from jax.experimental.pallas import tpu as pltpu

_W = 256


def _body(wbase_ref, rbase_ref, woff_ref, roff_ref, val_ref,
          mem_in_ref, mem_ref, out2_ref, wbuf, rbuf, sem):
    del mem_in_ref
    B = wbase_ref.shape[0]
    nb = jnp.int32(B)

    def w_load(b, c):
        pltpu.make_async_copy(
            mem_ref.at[pl.ds(pl.multiple_of(wbase_ref[b], 128), _W)],
            wbuf.at[b], sem).start()
        return c

    def w_wait(b, c):
        pltpu.make_async_copy(
            mem_ref.at[pl.ds(pl.multiple_of(wbase_ref[b], 128), _W)],
            wbuf.at[b], sem).wait()
        return c

    def w_store(b, c):
        pltpu.make_async_copy(
            wbuf.at[b],
            mem_ref.at[pl.ds(pl.multiple_of(wbase_ref[b], 128), _W)],
            sem).start()
        return c

    def w_store_wait(b, c):
        pltpu.make_async_copy(
            wbuf.at[b],
            mem_ref.at[pl.ds(pl.multiple_of(wbase_ref[b], 128), _W)],
            sem).wait()
        return c

    def r_load(b, c):
        pltpu.make_async_copy(
            mem_ref.at[pl.ds(pl.multiple_of(rbase_ref[b], 128), _W)],
            rbuf.at[b], sem).start()
        return c

    def r_wait(b, c):
        pltpu.make_async_copy(
            mem_ref.at[pl.ds(pl.multiple_of(rbase_ref[b], 128), _W)],
            rbuf.at[b], sem).wait()
        return c

    def modify():
        col = jax.lax.broadcasted_iota(jnp.int32, (B, _W), 1)
        d = col - woff_ref[...]
        dc = jnp.clip(d, 0, 7)
        sh = 8 * jnp.minimum(dc, 3)
        byte = jnp.where(dc < 4, (val_ref[...] >> sh) & 255, 0)
        inw = (d >= 0) & (d < 8)
        wbuf[...] = jnp.where(inw, byte, wbuf[...])

    def even_odd_pass(par):
        def load(b, c):
            return jax.lax.cond(b % 2 == par, lambda: w_load(b, c),
                                lambda: c)
        def wait(b, c):
            return jax.lax.cond(b % 2 == par, lambda: w_wait(b, c),
                                lambda: c)
        def store(b, c):
            return jax.lax.cond(b % 2 == par, lambda: w_store(b, c),
                                lambda: c)
        def store_wait(b, c):
            return jax.lax.cond(b % 2 == par, lambda: w_store_wait(b, c),
                                lambda: c)
        jax.lax.fori_loop(jnp.int32(0), nb, load, 0)
        jax.lax.fori_loop(jnp.int32(0), nb, wait, 0)
        modify()
        jax.lax.fori_loop(jnp.int32(0), nb, store, 0)
        jax.lax.fori_loop(jnp.int32(0), nb, store_wait, 0)

    even_odd_pass(jnp.int32(0))
    even_odd_pass(jnp.int32(1))

    jax.lax.fori_loop(jnp.int32(0), nb, r_load, 0)
    jax.lax.fori_loop(jnp.int32(0), nb, r_wait, 0)

    col = jax.lax.broadcasted_iota(jnp.int32, (B, _W), 1)
    d = col - roff_ref[...]
    dc = jnp.clip(d, 0, 7)
    inw = (d >= 0) & (d < 8)
    v = rbuf[...]
    lo = jnp.sum(jnp.where(inw & (dc < 4), v << (8 * jnp.minimum(dc, 3)), 0),
                 axis=1, keepdims=True, dtype=jnp.int32)
    hi = jnp.sum(jnp.where(inw & (dc >= 4), v << (8 * (dc - 4)), 0),
                 axis=1, keepdims=True, dtype=jnp.int32)
    out2_ref[...] = jnp.concatenate([lo, hi], axis=1)


def kernel(memory, addr, value, read_addr):
    B, M = memory.shape
    N = B * M
    rows = jnp.arange(B, dtype=jnp.int32) * M
    wf = addr.astype(jnp.int32) + rows
    rf = read_addr.astype(jnp.int32) + rows
    wbase = jnp.minimum(wf & ~127, N - _W)
    rbase = jnp.minimum(rf & ~127, N - _W)
    woff = (wf - wbase)[:, None]
    roff = (rf - rbase)[:, None]
    val32 = value.astype(jnp.int32)[:, None]
    mem32 = memory.astype(jnp.int32).reshape(N)

    mem_out32, out2 = pl.pallas_call(
        _body,
        out_shape=(
            jax.ShapeDtypeStruct((N,), jnp.int32),
            jax.ShapeDtypeStruct((B, 2), jnp.int32),
        ),
        in_specs=[
            pl.BlockSpec(memory_space=pltpu.SMEM),
            pl.BlockSpec(memory_space=pltpu.SMEM),
            pl.BlockSpec(memory_space=pltpu.VMEM),
            pl.BlockSpec(memory_space=pltpu.VMEM),
            pl.BlockSpec(memory_space=pltpu.VMEM),
            pl.BlockSpec(memory_space=pl.ANY),
        ],
        out_specs=(
            pl.BlockSpec(memory_space=pl.ANY),
            pl.BlockSpec(memory_space=pltpu.VMEM),
        ),
        scratch_shapes=[
            pltpu.VMEM((B, _W), jnp.int32),
            pltpu.VMEM((B, _W), jnp.int32),
            pltpu.SemaphoreType.DMA,
        ],
        input_output_aliases={5: 0},
    )(wbase, rbase, woff, roff, val32, mem32)

    lo = out2[:, 0].astype(jnp.uint32).astype(jnp.int64)
    hi = out2[:, 1].astype(jnp.uint32).astype(jnp.int64)
    result = lo | (hi << 32)
    mem_out = mem_out32.reshape(B, M).astype(memory.dtype)
    return (result, mem_out)

# --- scband reference (transcript-rebuilt; emitter-appended) ---
"""Pipeline reference for scband-c4-opcode-executor-62380105007577 (READ-ONLY COPY).

The authoritative reference and input builder live on the scoring server;
editing this copy changes nothing except your own understanding.
"""

import jax, jax.numpy as jnp
import numpy as np

jax.config.update("jax_enable_x64", True)


def setup_inputs(seed: int = 0) -> dict:
    key = jax.random.key(seed)
    k1, k2, k3, k4 = jax.random.split(key, 4)
    B, M = 512, 131072
    memory = jax.random.randint(k1, (B, M), 0, 256, dtype=jnp.int64)
    addr = jax.random.randint(k2, (B,), 0, M - 8, dtype=jnp.int64)
    value = jax.random.randint(k3, (B,), 0, 2**31 - 1, dtype=jnp.int64)
    read_addr = jax.random.randint(k4, (B,), 0, M - 8, dtype=jnp.int64)
    return {"memory": memory, "addr": addr, "value": value, "read_addr": read_addr}


def reference(memory, addr, value, read_addr):
    # Faithful jax translation of TransformerPrimitives.write_int64 followed by
    # read_int64 as used by C4OpcodeExecutor's push/pop/fetch paths.
    B, M = memory.shape
    rows = jnp.arange(B)
    mem = memory
    # write_int64: 8 byte-wise scatter-overwrite writes (little-endian)
    for i in range(8):
        byte_val = (value >> (i * 8)) & 255
        a = jnp.clip(addr + i, 0, M - 1)
        mem = mem.at[rows, a].set(byte_val & 255)
    # read_int64: 8 byte-wise gathers, reassembled little-endian
    result = jnp.zeros((B,), dtype=jnp.int64)
    for i in range(8):
        r = jnp.clip(read_addr + i, 0, M - 1)
        byte = mem[rows, r]
        result = result | (byte << (i * 8))
    return (result, mem)

if __name__ == "__main__":
    import jax
    _d = setup_inputs()
    print(jax.jit(kernel)(*tuple(_d.values())))

</pallas_src>

<mosaic_0001>
module attributes {stable_mosaic.version = 14 : i64} {
  func.func @_body(%arg0: memref<512xi32, #tpu.memory_space<smem>>, %arg1: memref<512xi32, #tpu.memory_space<smem>>, %arg2: memref<512x1xi32, #tpu.memory_space<vmem>>, %arg3: memref<512x1xi32, #tpu.memory_space<vmem>>, %arg4: memref<512x1xi32, #tpu.memory_space<vmem>>, %arg5: memref<67108864xi32, #tpu.memory_space<any>>, %arg6: memref<67108864xi32, #tpu.memory_space<any>>, %arg7: memref<512x2xi32, #tpu.memory_space<vmem>>, %arg8: memref<512x256xi32, #tpu.memory_space<vmem>>, %arg9: memref<512x256xi32, #tpu.memory_space<vmem>>, %arg10: memref<!tpu.dma_semaphore, #tpu.memory_space<semaphore_mem>>) attributes {dimension_semantics = [], scalar_prefetch = 0 : i64, scratch_operands = 3 : i64, tpu.core_type = #tpu.core_type<tc>} {
    %while3A = arith.constant 0 : i64
    %while3A_0 = arith.constant 0 : i32
    %while3A_1 = arith.constant 0 : i32
    %while3A_2 = arith.constant 512 : i32
    %while3A_3 = arith.subi %while3A_2, %while3A_1 : i32
    %while3A_4 = arith.addi %while3A_1, %while3A_3 : i32
    %while3A_5 = arith.constant 1 : i32
    %while3A_6 = arith.divsi %while3A_3, %while3A_5 : i32
    %while3A_7 = arith.muli %while3A_6, %while3A_5 : i32
    %while3A_8 = arith.addi %while3A_1, %while3A_7 : i32
    %while3A_9 = arith.constant 1 : i32
    scf.for %while3A_261 = %while3A_1 to %while3A_8 step %while3A_9  : i32 {
      %jit3A_262 = arith.constant 2 : i64
      %convert_element_type3A_263 = arith.trunci %jit3A_262 : i64 to i32
      %eq3A = arith.constant 0 : i32
      %eq3A_264 = arith.cmpi eq, %convert_element_type3A_263, %eq3A : i32
      %jit3A_265 = arith.constant 1 : i32
      %select_n3A_266 = arith.select %eq3A_264, %jit3A_265, %convert_element_type3A_263 : i32
      %rem3A = arith.remsi %while3A_261, %select_n3A_266 : i32
      %ne3A = arith.constant 0 : i32
      %ne3A_267 = arith.cmpi ne, %rem3A, %ne3A : i32
      %lt3A_268 = arith.constant 0 : i32
      %lt3A_269 = arith.cmpi slt, %rem3A, %lt3A_268 : i32
      %lt3A_270 = arith.constant 0 : i32
      %lt3A_271 = arith.cmpi slt, %select_n3A_266, %lt3A_270 : i32
      %ne3A_272 = arith.xori %lt3A_269, %lt3A_271 : i1
      %and3A_273 = arith.andi %ne3A_272, %ne3A_267 : i1
      %add3A = arith.addi %rem3A, %select_n3A_266 : i32
      %select_n3A_274 = arith.select %and3A_273, %add3A, %rem3A : i32
      %eq3A_275 = arith.cmpi eq, %select_n3A_274, %while3A_0 : i32
      %convert_element_type3A_276 = arith.extui %eq3A_275 : i1 to i32
      %cond3A = arith.constant 0 : i32
      %cond3A_277 = arith.cmpi ne, %convert_element_type3A_276, %cond3A : i32
      scf.if %cond3A_277 {
        %get3A_278 = arith.index_cast %while3A_261 : i32 to index
        %get3A_279 = memref.load %arg0[%get3A_278] : memref<512xi32, #tpu.memory_space<smem>>
        %multiple_of3A = tpu.assume_multiple %get3A_279, 128 : i32
        %dma_start3A = arith.constant 0 : i32
        %dma_start3A_280 = tpu.memref_slice %arg8[%while3A_261, %dma_start3A] : memref<512x256xi32, #tpu.memory_space<vmem>> -> memref<1x256xi32, #tpu.memory_space<vmem>>
        %dma_start3A_281 = tpu.memref_squeeze %dma_start3A_280 : memref<1x256xi32, #tpu.memory_space<vmem>> -> memref<256xi32, #tpu.memory_space<vmem>>
        %dma_start3A_282 = tpu.memref_slice %arg6[%multiple_of3A] : memref<67108864xi32, #tpu.memory_space<any>> -> memref<256xi32, #tpu.memory_space<any>>
        tpu.enqueue_dma source(%dma_start3A_282 : memref<256xi32, #tpu.memory_space<any>>) target(%dma_start3A_281 : memref<256xi32, #tpu.memory_space<vmem>>) target_semaphore(%arg10 : memref<!tpu.dma_semaphore, #tpu.memory_space<semaphore_mem>>)
      } else {
      }
    }
    %while3A_10 = arith.constant 1 : i32
    scf.for %while3A_261 = %while3A_8 to %while3A_4 step %while3A_10  : i32 {
      %jit3A_262 = arith.constant 2 : i64
      %convert_element_type3A_263 = arith.trunci %jit3A_262 : i64 to i32
      %eq3A = arith.constant 0 : i32
      %eq3A_264 = arith.cmpi eq, %convert_element_type3A_263, %eq3A : i32
      %jit3A_265 = arith.constant 1 : i32
      %select_n3A_266 = arith.select %eq3A_264, %jit3A_265, %convert_element_type3A_263 : i32
      %rem3A = arith.remsi %while3A_261, %select_n3A_266 : i32
      %ne3A = arith.constant 0 : i32
      %ne3A_267 = arith.cmpi ne, %rem3A, %ne3A : i32
      %lt3A_268 = arith.constant 0 : i32
      %lt3A_269 = arith.cmpi slt, %rem3A, %lt3A_268 : i32
      %lt3A_270 = arith.constant 0 : i32
      %lt3A_271 = arith.cmpi slt, %select_n3A_266, %lt3A_270 : i32
      %ne3A_272 = arith.xori %lt3A_269, %lt3A_271 : i1
      %and3A_273 = arith.andi %ne3A_272, %ne3A_267 : i1
      %add3A = arith.addi %rem3A, %select_n3A_266 : i32
      %select_n3A_274 = arith.select %and3A_273, %add3A, %rem3A : i32
      %eq3A_275 = arith.cmpi eq, %select_n3A_274, %while3A_0 : i32
      %convert_element_type3A_276 = arith.extui %eq3A_275 : i1 to i32
      %cond3A = arith.constant 0 : i32
      %cond3A_277 = arith.cmpi ne, %convert_element_type3A_276, %cond3A : i32
      scf.if %cond3A_277 {
        %get3A_278 = arith.index_cast %while3A_261 : i32 to index
        %get3A_279 = memref.load %arg0[%get3A_278] : memref<512xi32, #tpu.memory_space<smem>>
        %multiple_of3A = tpu.assume_multiple %get3A_279, 128 : i32
        %dma_start3A = arith.constant 0 : i32
        %dma_start3A_280 = tpu.memref_slice %arg8[%while3A_261, %dma_start3A] : memref<512x256xi32, #tpu.memory_space<vmem>> -> memref<1x256xi32, #tpu.memory_space<vmem>>
        %dma_start3A_281 = tpu.memref_squeeze %dma_start3A_280 : memref<1x256xi32, #tpu.memory_space<vmem>> -> memref<256xi32, #tpu.memory_space<vmem>>
        %dma_start3A_282 = tpu.memref_slice %arg6[%multiple_of3A] : memref<67108864xi32, #tpu.memory_space<any>> -> memref<256xi32, #tpu.memory_space<any>>
        tpu.enqueue_dma source(%dma_start3A_282 : memref<256xi32, #tpu.memory_space<any>>) target(%dma_start3A_281 : memref<256xi32, #tpu.memory_space<vmem>>) target_semaphore(%arg10 : memref<!tpu.dma_semaphore, #tpu.memory_space<semaphore_mem>>)
      } else {
      }
    }
    %while3A_11 = arith.constant 0 : i64
    %while3A_12 = arith.constant 0 : i32
    %while3A_13 = arith.constant 0 : i32
    %while3A_14 = arith.constant 512 : i32
    %while3A_15 = arith.subi %while3A_14, %while3A_13 : i32
    %while3A_16 = arith.addi %while3A_13, %while3A_15 : i32
    %while3A_17 = arith.constant 1 : i32
    %while3A_18 = arith.divsi %while3A_15, %while3A_17 : i32
    %while3A_19 = arith.muli %while3A_18, %while3A_17 : i32
    %while3A_20 = arith.addi %while3A_13, %while3A_19 : i32
    %while3A_21 = arith.constant 1 : i32
    scf.for %while3A_261 = %while3A_13 to %while3A_20 step %while3A_21  : i32 {
      %jit3A_262 = arith.constant 2 : i64
      %convert_element_type3A_263 = arith.trunci %jit3A_262 : i64 to i32
      %eq3A = arith.constant 0 : i32
      %eq3A_264 = arith.cmpi eq, %convert_element_type3A_263, %eq3A : i32
      %jit3A_265 = arith.constant 1 : i32
      %select_n3A_266 = arith.select %eq3A_264, %jit3A_265, %convert_element_type3A_263 : i32
      %rem3A = arith.remsi %while3A_261, %select_n3A_266 : i32
      %ne3A = arith.constant 0 : i32
      %ne3A_267 = arith.cmpi ne, %rem3A, %ne3A : i32
      %lt3A_268 = arith.constant 0 : i32
      %lt3A_269 = arith.cmpi slt, %rem3A, %lt3A_268 : i32
      %lt3A_270 = arith.constant 0 : i32
      %lt3A_271 = arith.cmpi slt, %select_n3A_266, %lt3A_270 : i32
      %ne3A_272 = arith.xori %lt3A_269, %lt3A_271 : i1
      %and3A_273 = arith.andi %ne3A_272, %ne3A_267 : i1
      %add3A = arith.addi %rem3A, %select_n3A_266 : i32
      %select_n3A_274 = arith.select %and3A_273, %add3A, %rem3A : i32
      %eq3A_275 = arith.cmpi eq, %select_n3A_274, %while3A_12 : i32
      %convert_element_type3A_276 = arith.extui %eq3A_275 : i1 to i32
      %cond3A = arith.constant 0 : i32
      %cond3A_277 = arith.cmpi ne, %convert_element_type3A_276, %cond3A : i32
      scf.if %cond3A_277 {
        %get3A_278 = arith.index_cast %while3A_261 : i32 to index
        %get3A_279 = memref.load %arg0[%get3A_278] : memref<512xi32, #tpu.memory_space<smem>>
        %multiple_of3A = tpu.assume_multiple %get3A_279, 128 : i32
        %dma_wait3A = arith.constant 0 : i32
        %dma_wait3A_280 = tpu.memref_slice %arg8[%while3A_261, %dma_wait3A] : memref<512x256xi32, #tpu.memory_space<vmem>> -> memref<1x256xi32, #tpu.memory_space<vmem>>
        %dma_wait3A_281 = tpu.memref_squeeze %dma_wait3A_280 : memref<1x256xi32, #tpu.memory_space<vmem>> -> memref<256xi32, #tpu.memory_space<vmem>>
        %dma_wait3A_282 = tpu.memref_slice %arg6[%multiple_of3A] : memref<67108864xi32, #tpu.memory_space<any>> -> memref<256xi32, #tpu.memory_space<any>>
        tpu.wait_dma2 semaphore(%arg10 : memref<!tpu.dma_semaphore, #tpu.memory_space<semaphore_mem>>) src(%dma_wait3A_282 : memref<256xi32, #tpu.memory_space<any>>) dst(%dma_wait3A_281 : memref<256xi32, #tpu.memory_space<vmem>>)
      } else {
      }
    }
    %while3A_22 = arith.constant 1 : i32
    scf.for %while3A_261 = %while3A_20 to %while3A_16 step %while3A_22  : i32 {
      %jit3A_262 = arith.constant 2 : i64
      %convert_element_type3A_263 = arith.trunci %jit3A_262 : i64 to i32
      %eq3A = arith.constant 0 : i32
      %eq3A_264 = arith.cmpi eq, %convert_element_type3A_263, %eq3A : i32
      %jit3A_265 = arith.constant 1 : i32
      %select_n3A_266 = arith.select %eq3A_264, %jit3A_265, %convert_element_type3A_263 : i32
      %rem3A = arith.remsi %while3A_261, %select_n3A_266 : i32
      %ne3A = arith.constant 0 : i32
      %ne3A_267 = arith.cmpi ne, %rem3A, %ne3A : i32
      %lt3A_268 = arith.constant 0 : i32
      %lt3A_269 = arith.cmpi slt, %rem3A, %lt3A_268 : i32
      %lt3A_270 = arith.constant 0 : i32
      %lt3A_271 = arith.cmpi slt, %select_n3A_266, %lt3A_270 : i32
      %ne3A_272 = arith.xori %lt3A_269, %lt3A_271 : i1
      %and3A_273 = arith.andi %ne3A_272, %ne3A_267 : i1
      %add3A = arith.addi %rem3A, %select_n3A_266 : i32
      %select_n3A_274 = arith.select %and3A_273, %add3A, %rem3A : i32
      %eq3A_275 = arith.cmpi eq, %select_n3A_274, %while3A_12 : i32
      %convert_element_type3A_276 = arith.extui %eq3A_275 : i1 to i32
      %cond3A = arith.constant 0 : i32
      %cond3A_277 = arith.cmpi ne, %convert_element_type3A_276, %cond3A : i32
      scf.if %cond3A_277 {
        %get3A_278 = arith.index_cast %while3A_261 : i32 to index
        %get3A_279 = memref.load %arg0[%get3A_278] : memref<512xi32, #tpu.memory_space<smem>>
        %multiple_of3A = tpu.assume_multiple %get3A_279, 128 : i32
        %dma_wait3A = arith.constant 0 : i32
        %dma_wait3A_280 = tpu.memref_slice %arg8[%while3A_261, %dma_wait3A] : memref<512x256xi32, #tpu.memory_space<vmem>> -> memref<1x256xi32, #tpu.memory_space<vmem>>
        %dma_wait3A_281 = tpu.memref_squeeze %dma_wait3A_280 : memref<1x256xi32, #tpu.memory_space<vmem>> -> memref<256xi32, #tpu.memory_space<vmem>>
        %dma_wait3A_282 = tpu.memref_slice %arg6[%multiple_of3A] : memref<67108864xi32, #tpu.memory_space<any>> -> memref<256xi32, #tpu.memory_space<any>>
        tpu.wait_dma2 semaphore(%arg10 : memref<!tpu.dma_semaphore, #tpu.memory_space<semaphore_mem>>) src(%dma_wait3A_282 : memref<256xi32, #tpu.memory_space<any>>) dst(%dma_wait3A_281 : memref<256xi32, #tpu.memory_space<vmem>>)
      } else {
      }
    }
    %iota3A = tpu.iota {dimensions = array<i32: 1>} : vector<512x256xi32>
    %get3A = arith.constant 0 : index
    %get3A_23 = arith.constant 0 : index
    %get3A_24 = vector.load %arg2[%get3A, %get3A_23] : memref<512x1xi32, #tpu.memory_space<vmem>>, vector<512x1xi32>
    %sub3A = vector.broadcast %get3A_24 : vector<512x1xi32> to vector<512x256xi32>
    %sub3A_25 = arith.subi %iota3A, %sub3A : vector<512x256xi32>
    %jit3A = arith.constant 0 : i64
    %jit3A_26 = arith.constant 7 : i64
    %convert_element_type3A = arith.trunci %jit3A : i64 to i32
    %max3A = vector.broadcast %convert_element_type3A : i32 to vector<512x256xi32>
    %max3A_27 = arith.maxsi %max3A, %sub3A_25 : vector<512x256xi32>
    %convert_element_type3A_28 = arith.trunci %jit3A_26 : i64 to i32
    %min3A = vector.broadcast %convert_element_type3A_28 : i32 to vector<512x256xi32>
    %min3A_29 = arith.minsi %min3A, %max3A_27 : vector<512x256xi32>
    %min3A_30 = arith.constant 3 : i32
    %min3A_31 = vector.broadcast %min3A_30 : i32 to vector<512x256xi32>
    %min3A_32 = arith.minsi %min3A_29, %min3A_31 : vector<512x256xi32>
    %mul3A = arith.constant 8 : i32
    %mul3A_33 = vector.broadcast %mul3A : i32 to vector<512x256xi32>
    %mul3A_34 = arith.muli %mul3A_33, %min3A_32 : vector<512x256xi32>
    %lt3A = arith.constant 4 : i32
    %lt3A_35 = vector.broadcast %lt3A : i32 to vector<512x256xi32>
    %lt3A_36 = arith.cmpi slt, %min3A_29, %lt3A_35 : vector<512x256xi32>
    %get3A_37 = arith.constant 0 : index
    %get3A_38 = arith.constant 0 : index
    %get3A_39 = vector.load %arg4[%get3A_37, %get3A_38] : memref<512x1xi32, #tpu.memory_space<vmem>>, vector<512x1xi32>
    %shift_right_arithmetic3A = vector.broadcast %get3A_39 : vector<512x1xi32> to vector<512x256xi32>
    %shift_right_arithmetic3A_40 = arith.shrsi %shift_right_arithmetic3A, %mul3A_34 : vector<512x256xi32>
    %and3A = arith.constant 255 : i32
    %and3A_41 = vector.broadcast %and3A : i32 to vector<512x256xi32>
    %and3A_42 = arith.andi %shift_right_arithmetic3A_40, %and3A_41 : vector<512x256xi32>
    %jit3A_43 = arith.constant 0 : i64
    %convert_element_type3A_44 = arith.trunci %jit3A_43 : i64 to i32
    %broadcast_in_dim3A = vector.broadcast %convert_element_type3A_44 : i32 to vector<512x256xi32>
    %select_n3A = arith.select %lt3A_36, %and3A_42, %broadcast_in_dim3A : vector<512x256xi1>, vector<512x256xi32>
    %ge3A = arith.constant 0 : i32
    %ge3A_45 = vector.broadcast %ge3A : i32 to vector<512x256xi32>
    %ge3A_46 = arith.cmpi sge, %sub3A_25, %ge3A_45 : vector<512x256xi32>
    %lt3A_47 = arith.constant 8 : i32
    %lt3A_48 = vector.broadcast %lt3A_47 : i32 to vector<512x256xi32>
    %lt3A_49 = arith.cmpi slt, %sub3A_25, %lt3A_48 : vector<512x256xi32>
    %and3A_50 = arith.andi %ge3A_46, %lt3A_49 : vector<512x256xi1>
    %get3A_51 = arith.constant 0 : index
    %get3A_52 = arith.constant 0 : index
    %get3A_53 = vector.load %arg8[%get3A_51, %get3A_52] : memref<512x256xi32, #tpu.memory_space<vmem>>, vector<512x256xi32>
    %select_n3A_54 = arith.select %and3A_50, %select_n3A, %get3A_53 : vector<512x256xi1>, vector<512x256xi32>
    %swap3A = arith.constant 0 : index
    %swap3A_55 = arith.constant 0 : index
    %swap3A_56 = vector.load %arg8[%swap3A, %swap3A_55] : memref<512x256xi32, #tpu.memory_space<vmem>>, vector<512x256xi32>
    tpu.vector_store %arg8[%swap3A, %swap3A_55], %select_n3A_54 {strides = array<i32>} : memref<512x256xi32, #tpu.memory_space<vmem>>, vector<512x256xi32>,
    %while3A_57 = arith.constant 0 : i64
    %while3A_58 = arith.constant 0 : i32
    %while3A_59 = arith.constant 0 : i32
    %while3A_60 = arith.constant 512 : i32
    %while3A_61 = arith.subi %while3A_60, %while3A_59 : i32
    %while3A_62 = arith.addi %while3A_59, %while3A_61 : i32
    %while3A_63 = arith.constant 1 : i32
    %while3A_64 = arith.divsi %while3A_61, %while3A_63 : i32
    %while3A_65 = arith.muli %while3A_64, %while3A_63 : i32
    %while3A_66 = arith.addi %while3A_59, %while3A_65 : i32
    %while3A_67 = arith.constant 1 : i32
    scf.for %while3A_261 = %while3A_59 to %while3A_66 step %while3A_67  : i32 {
      %jit3A_262 = arith.constant 2 : i64
      %convert_element_type3A_263 = arith.trunci %jit3A_262 : i64 to i32
      %eq3A = arith.constant 0 : i32
      %eq3A_264 = arith.cmpi eq, %convert_element_type3A_263, %eq3A : i32
      %jit3A_265 = arith.constant 1 : i32
      %select_n3A_266 = arith.select %eq3A_264, %jit3A_265, %convert_element_type3A_263 : i32
      %rem3A = arith.remsi %while3A_261, %select_n3A_266 : i32
      %ne3A = arith.constant 0 : i32
      %ne3A_267 = arith.cmpi ne, %rem3A, %ne3A : i32
      %lt3A_268 = arith.constant 0 : i32
      %lt3A_269 = arith.cmpi slt, %rem3A, %lt3A_268 : i32
      %lt3A_270 = arith.constant 0 : i32
      %lt3A_271 = arith.cmpi slt, %select_n3A_266, %lt3A_270 : i32
      %ne3A_272 = arith.xori %lt3A_269, %lt3A_271 : i1
      %and3A_273 = arith.andi %ne3A_272, %ne3A_267 : i1
      %add3A = arith.addi %rem3A, %select_n3A_266 : i32
      %select_n3A_274 = arith.select %and3A_273, %add3A, %rem3A : i32
      %eq3A_275 = arith.cmpi eq, %select_n3A_274, %while3A_58 : i32
      %convert_element_type3A_276 = arith.extui %eq3A_275 : i1 to i32
      %cond3A = arith.constant 0 : i32
      %cond3A_277 = arith.cmpi ne, %convert_element_type3A_276, %cond3A : i32
      scf.if %cond3A_277 {
        %get3A_278 = arith.index_cast %while3A_261 : i32 to index
        %get3A_279 = memref.load %arg0[%get3A_278] : memref<512xi32, #tpu.memory_space<smem>>
        %multiple_of3A = tpu.assume_multiple %get3A_279, 128 : i32
        %dma_start3A = tpu.memref_slice %arg6[%multiple_of3A] : memref<67108864xi32, #tpu.memory_space<any>> -> memref<256xi32, #tpu.memory_space<any>>
        %dma_start3A_280 = arith.constant 0 : i32
        %dma_start3A_281 = tpu.memref_slice %arg8[%while3A_261, %dma_start3A_280] : memref<512x256xi32, #tpu.memory_space<vmem>> -> memref<1x256xi32, #tpu.memory_space<vmem>>
        %dma_start3A_282 = tpu.memref_squeeze %dma_start3A_281 : memref<1x256xi32, #tpu.memory_space<vmem>> -> memref<256xi32, #tpu.memory_space<vmem>>
        tpu.enqueue_dma source(%dma_start3A_282 : memref<256xi32, #tpu.memory_space<vmem>>) target(%dma_start3A : memref<256xi32, #tpu.memory_space<any>>) target_semaphore(%arg10 : memref<!tpu.dma_semaphore, #tpu.memory_space<semaphore_mem>>)
      } else {
      }
    }
    %while3A_68 = arith.constant 1 : i32
    scf.for %while3A_261 = %while3A_66 to %while3A_62 step %while3A_68  : i32 {
      %jit3A_262 = arith.constant 2 : i64
      %convert_element_type3A_263 = arith.trunci %jit3A_262 : i64 to i32
      %eq3A = arith.constant 0 : i32
      %eq3A_264 = arith.cmpi eq, %convert_element_type3A_263, %eq3A : i32
      %jit3A_265 = arith.constant 1 : i32
      %select_n3A_266 = arith.select %eq3A_264, %jit3A_265, %convert_element_type3A_263 : i32
      %rem3A = arith.remsi %while3A_261, %select_n3A_266 : i32
      %ne3A = arith.constant 0 : i32
      %ne3A_267 = arith.cmpi ne, %rem3A, %ne3A : i32
      %lt3A_268 = arith.constant 0 : i32
      %lt3A_269 = arith.cmpi slt, %rem3A, %lt3A_268 : i32
      %lt3A_270 = arith.constant 0 : i32
      %lt3A_271 = arith.cmpi slt, %select_n3A_266, %lt3A_270 : i32
      %ne3A_272 = arith.xori %lt3A_269, %lt3A_271 : i1
      %and3A_273 = arith.andi %ne3A_272, %ne3A_267 : i1
      %add3A = arith.addi %rem3A, %select_n3A_266 : i32
      %select_n3A_274 = arith.select %and3A_273, %add3A, %rem3A : i32
      %eq3A_275 = arith.cmpi eq, %select_n3A_274, %while3A_58 : i32
      %convert_element_type3A_276 = arith.extui %eq3A_275 : i1 to i32
      %cond3A = arith.constant 0 : i32
      %cond3A_277 = arith.cmpi ne, %convert_element_type3A_276, %cond3A : i32
      scf.if %cond3A_277 {
        %get3A_278 = arith.index_cast %while3A_261 : i32 to index
        %get3A_279 = memref.load %arg0[%get3A_278] : memref<512xi32, #tpu.memory_space<smem>>
        %multiple_of3A = tpu.assume_multiple %get3A_279, 128 : i32
        %dma_start3A = tpu.memref_slice %arg6[%multiple_of3A] : memref<67108864xi32, #tpu.memory_space<any>> -> memref<256xi32, #tpu.memory_space<any>>
        %dma_start3A_280 = arith.constant 0 : i32
        %dma_start3A_281 = tpu.memref_slice %arg8[%while3A_261, %dma_start3A_280] : memref<512x256xi32, #tpu.memory_space<vmem>> -> memref<1x256xi32, #tpu.memory_space<vmem>>
        %dma_start3A_282 = tpu.memref_squeeze %dma_start3A_281 : memref<1x256xi32, #tpu.memory_space<vmem>> -> memref<256xi32, #tpu.memory_space<vmem>>
        tpu.enqueue_dma source(%dma_start3A_282 : memref<256xi32, #tpu.memory_space<vmem>>) target(%dma_start3A : memref<256xi32, #tpu.memory_space<any>>) target_semaphore(%arg10 : memref<!tpu.dma_semaphore, #tpu.memory_space<semaphore_mem>>)
      } else {
      }
    }
    %while3A_69 = arith.constant 0 : i64
    %while3A_70 = arith.constant 0 : i32
    %while3A_71 = arith.constant 0 : i32
    %while3A_72 = arith.constant 512 : i32
    %while3A_73 = arith.subi %while3A_72, %while3A_71 : i32
    %while3A_74 = arith.addi %while3A_71, %while3A_73 : i32
    %while3A_75 = arith.constant 1 : i32
    %while3A_76 = arith.divsi %while3A_73, %while3A_75 : i32
    %while3A_77 = arith.muli %while3A_76, %while3A_75 : i32
    %while3A_78 = arith.addi %while3A_71, %while3A_77 : i32
    %while3A_79 = arith.constant 1 : i32
    scf.for %while3A_261 = %while3A_71 to %while3A_78 step %while3A_79  : i32 {
      %jit3A_262 = arith.constant 2 : i64
      %convert_element_type3A_263 = arith.trunci %jit3A_262 : i64 to i32
      %eq3A = arith.constant 0 : i32
      %eq3A_264 = arith.cmpi eq, %convert_element_type3A_263, %eq3A : i32
      %jit3A_265 = arith.constant 1 : i32
      %select_n3A_266 = arith.select %eq3A_264, %jit3A_265, %convert_element_type3A_263 : i32
      %rem3A = arith.remsi %while3A_261, %select_n3A_266 : i32
      %ne3A = arith.constant 0 : i32
      %ne3A_267 = arith.cmpi ne, %rem3A, %ne3A : i32
      %lt3A_268 = arith.constant 0 : i32
      %lt3A_269 = arith.cmpi slt, %rem3A, %lt3A_268 : i32
      %lt3A_270 = arith.constant 0 : i32
      %lt3A_271 = arith.cmpi slt, %select_n3A_266, %lt3A_270 : i32
      %ne3A_272 = arith.xori %lt3A_269, %lt3A_271 : i1
      %and3A_273 = arith.andi %ne3A_272, %ne3A_267 : i1
      %add3A = arith.addi %rem3A, %select_n3A_266 : i32
      %select_n3A_274 = arith.select %and3A_273, %add3A, %rem3A : i32
      %eq3A_275 = arith.cmpi eq, %select_n3A_274, %while3A_70 : i32
      %convert_element_type3A_276 = arith.extui %eq3A_275 : i1 to i32
      %cond3A = arith.constant 0 : i32
      %cond3A_277 = arith.cmpi ne, %convert_element_type3A_276, %cond3A : i32
      scf.if %cond3A_277 {
        %get3A_278 = arith.index_cast %while3A_261 : i32 to index
        %get3A_279 = memref.load %arg0[%get3A_278] : memref<512xi32, #tpu.memory_space<smem>>
        %multiple_of3A = tpu.assume_multiple %get3A_279, 128 : i32
        %dma_wait3A = tpu.memref_slice %arg6[%multiple_of3A] : memref<67108864xi32, #tpu.memory_space<any>> -> memref<256xi32, #tpu.memory_space<any>>
        %dma_wait3A_280 = arith.constant 0 : i32
        %dma_wait3A_281 = tpu.memref_slice %arg8[%while3A_261, %dma_wait3A_280] : memref<512x256xi32, #tpu.memory_space<vmem>> -> memref<1x256xi32, #tpu.memory_space<vmem>>
        %dma_wait3A_282 = tpu.memref_squeeze %dma_wait3A_281 : memref<1x256xi32, #tpu.memory_space<vmem>> -> memref<256xi32, #tpu.memory_space<vmem>>
        tpu.wait_dma2 semaphore(%arg10 : memref<!tpu.dma_semaphore, #tpu.memory_space<semaphore_mem>>) src(%dma_wait3A_282 : memref<256xi32, #tpu.memory_space<vmem>>) dst(%dma_wait3A : memref<256xi32, #tpu.memory_space<any>>)
      } else {
      }
    }
    %while3A_80 = arith.constant 1 : i32
    scf.for %while3A_261 = %while3A_78 to %while3A_74 step %while3A_80  : i32 {
      %jit3A_262 = arith.constant 2 : i64
      %convert_element_type3A_263 = arith.trunci %jit3A_262 : i64 to i32
      %eq3A = arith.constant 0 : i32
      %eq3A_264 = arith.cmpi eq, %convert_element_type3A_263, %eq3A : i32
      %jit3A_265 = arith.constant 1 : i32
      %select_n3A_266 = arith.select %eq3A_264, %jit3A_265, %convert_element_type3A_263 : i32
      %rem3A = arith.remsi %while3A_261, %select_n3A_266 : i32
      %ne3A = arith.constant 0 : i32
      %ne3A_267 = arith.cmpi ne, %rem3A, %ne3A : i32
      %lt3A_268 = arith.constant 0 : i32
      %lt3A_269 = arith.cmpi slt, %rem3A, %lt3A_268 : i32
      %lt3A_270 = arith.constant 0 : i32
      %lt3A_271 = arith.cmpi slt, %select_n3A_266, %lt3A_270 : i32
      %ne3A_272 = arith.xori %lt3A_269, %lt3A_271 : i1
      %and3A_273 = arith.andi %ne3A_272, %ne3A_267 : i1
      %add3A = arith.addi %rem3A, %select_n3A_266 : i32
      %select_n3A_274 = arith.select %and3A_273, %add3A, %rem3A : i32
      %eq3A_275 = arith.cmpi eq, %select_n3A_274, %while3A_70 : i32
      %convert_element_type3A_276 = arith.extui %eq3A_275 : i1 to i32
      %cond3A = arith.constant 0 : i32
      %cond3A_277 = arith.cmpi ne, %convert_element_type3A_276, %cond3A : i32
      scf.if %cond3A_277 {
        %get3A_278 = arith.index_cast %while3A_261 : i32 to index
        %get3A_279 = memref.load %arg0[%get3A_278] : memref<512xi32, #tpu.memory_space<smem>>
        %multiple_of3A = tpu.assume_multiple %get3A_279, 128 : i32
        %dma_wait3A = tpu.memref_slice %arg6[%multiple_of3A] : memref<67108864xi32, #tpu.memory_space<any>> -> memref<256xi32, #tpu.memory_space<any>>
        %dma_wait3A_280 = arith.constant 0 : i32
        %dma_wait3A_281 = tpu.memref_slice %arg8[%while3A_261, %dma_wait3A_280] : memref<512x256xi32, #tpu.memory_space<vmem>> -> memref<1x256xi32, #tpu.memory_space<vmem>>
        %dma_wait3A_282 = tpu.memref_squeeze %dma_wait3A_281 : memref<1x256xi32, #tpu.memory_space<vmem>> -> memref<256xi32, #tpu.memory_space<vmem>>
        tpu.wait_dma2 semaphore(%arg10 : memref<!tpu.dma_semaphore, #tpu.memory_space<semaphore_mem>>) src(%dma_wait3A_282 : memref<256xi32, #tpu.memory_space<vmem>>) dst(%dma_wait3A : memref<256xi32, #tpu.memory_space<any>>)
      } else {
      }
    }
    %while3A_81 = arith.constant 0 : i64
    %while3A_82 = arith.constant 1 : i32
    %while3A_83 = arith.constant 0 : i32
    %while3A_84 = arith.constant 512 : i32
    %while3A_85 = arith.subi %while3A_84, %while3A_83 : i32
    %while3A_86 = arith.addi %while3A_83, %while3A_85 : i32
    %while3A_87 = arith.constant 1 : i32
    %while3A_88 = arith.divsi %while3A_85, %while3A_87 : i32
    %while3A_89 = arith.muli %while3A_88, %while3A_87 : i32
    %while3A_90 = arith.addi %while3A_83, %while3A_89 : i32
    %while3A_91 = arith.constant 1 : i32
    scf.for %while3A_261 = %while3A_83 to %while3A_90 step %while3A_91  : i32 {
      %jit3A_262 = arith.constant 2 : i64
      %convert_element_type3A_263 = arith.trunci %jit3A_262 : i64 to i32
      %eq3A = arith.constant 0 : i32
      %eq3A_264 = arith.cmpi eq, %convert_element_type3A_263, %eq3A : i32
      %jit3A_265 = arith.constant 1 : i32
      %select_n3A_266 = arith.select %eq3A_264, %jit3A_265, %convert_element_type3A_263 : i32
      %rem3A = arith.remsi %while3A_261, %select_n3A_266 : i32
      %ne3A = arith.constant 0 : i32
      %ne3A_267 = arith.cmpi ne, %rem3A, %ne3A : i32
      %lt3A_268 = arith.constant 0 : i32
      %lt3A_269 = arith.cmpi slt, %rem3A, %lt3A_268 : i32
      %lt3A_270 = arith.constant 0 : i32
      %lt3A_271 = arith.cmpi slt, %select_n3A_266, %lt3A_270 : i32
      %ne3A_272 = arith.xori %lt3A_269, %lt3A_271 : i1
      %and3A_273 = arith.andi %ne3A_272, %ne3A_267 : i1
      %add3A = arith.addi %rem3A, %select_n3A_266 : i32
      %select_n3A_274 = arith.select %and3A_273, %add3A, %rem3A : i32
      %eq3A_275 = arith.cmpi eq, %select_n3A_274, %while3A_82 : i32
      %convert_element_type3A_276 = arith.extui %eq3A_275 : i1 to i32
      %cond3A = arith.constant 0 : i32
      %cond3A_277 = arith.cmpi ne, %convert_element_type3A_276, %cond3A : i32
      scf.if %cond3A_277 {
        %get3A_278 = arith.index_cast %while3A_261 : i32 to index
        %get3A_279 = memref.load %arg0[%get3A_278] : memref<512xi32, #tpu.memory_space<smem>>
        %multiple_of3A = tpu.assume_multiple %get3A_279, 128 : i32
        %dma_start3A = arith.constant 0 : i32
        %dma_start3A_280 = tpu.memref_slice %arg8[%while3A_261, %dma_start3A] : memref<512x256xi32, #tpu.memory_space<vmem>> -> memref<1x256xi32, #tpu.memory_space<vmem>>
        %dma_start3A_281 = tpu.memref_squeeze %dma_start3A_280 : memref<1x256xi32, #tpu.memory_space<vmem>> -> memref<256xi32, #tpu.memory_space<vmem>>
        %dma_start3A_282 = tpu.memref_slice %arg6[%multiple_of3A] : memref<67108864xi32, #tpu.memory_space<any>> -> memref<256xi32, #tpu.memory_space<any>>
        tpu.enqueue_dma source(%dma_start3A_282 : memref<256xi32, #tpu.memory_space<any>>) target(%dma_start3A_281 : memref<256xi32, #tpu.memory_space<vmem>>) target_semaphore(%arg10 : memref<!tpu.dma_semaphore, #tpu.memory_space<semaphore_mem>>)
      } else {
      }
    }
    %while3A_92 = arith.constant 1 : i32
    scf.for %while3A_261 = %while3A_90 to %while3A_86 step %while3A_92  : i32 {
      %jit3A_262 = arith.constant 2 : i64
      %convert_element_type3A_263 = arith.trunci %jit3A_262 : i64 to i32
      %eq3A = arith.constant 0 : i32
      %eq3A_264 = arith.cmpi eq, %convert_element_type3A_263, %eq3A : i32
      %jit3A_265 = arith.constant 1 : i32
      %select_n3A_266 = arith.select %eq3A_264, %jit3A_265, %convert_element_type3A_263 : i32
      %rem3A = arith.remsi %while3A_261, %select_n3A_266 : i32
      %ne3A = arith.constant 0 : i32
      %ne3A_267 = arith.cmpi ne, %rem3A, %ne3A : i32
      %lt3A_268 = arith.constant 0 : i32
      %lt3A_269 = arith.cmpi slt, %rem3A, %lt3A_268 : i32
      %lt3A_270 = arith.constant 0 : i32
      %lt3A_271 = arith.cmpi slt, %select_n3A_266, %lt3A_270 : i32
      %ne3A_272 = arith.xori %lt3A_269, %lt3A_271 : i1
      %and3A_273 = arith.andi %ne3A_272, %ne3A_267 : i1
      %add3A = arith.addi %rem3A, %select_n3A_266 : i32
      %select_n3A_274 = arith.select %and3A_273, %add3A, %rem3A : i32
      %eq3A_275 = arith.cmpi eq, %select_n3A_274, %while3A_82 : i32
      %convert_element_type3A_276 = arith.extui %eq3A_275 : i1 to i32
      %cond3A = arith.constant 0 : i32
      %cond3A_277 = arith.cmpi ne, %convert_element_type3A_276, %cond3A : i32
      scf.if %cond3A_277 {
        %get3A_278 = arith.index_cast %while3A_261 : i32 to index
        %get3A_279 = memref.load %arg0[%get3A_278] : memref<512xi32, #tpu.memory_space<smem>>
        %multiple_of3A = tpu.assume_multiple %get3A_279, 128 : i32
        %dma_start3A = arith.constant 0 : i32
        %dma_start3A_280 = tpu.memref_slice %arg8[%while3A_261, %dma_start3A] : memref<512x256xi32, #tpu.memory_space<vmem>> -> memref<1x256xi32, #tpu.memory_space<vmem>>
        %dma_start3A_281 = tpu.memref_squeeze %dma_start3A_280 : memref<1x256xi32, #tpu.memory_space<vmem>> -> memref<256xi32, #tpu.memory_space<vmem>>
        %dma_start3A_282 = tpu.memref_slice %arg6[%multiple_of3A] : memref<67108864xi32, #tpu.memory_space<any>> -> memref<256xi32, #tpu.memory_space<any>>
        tpu.enqueue_dma source(%dma_start3A_282 : memref<256xi32, #tpu.memory_space<any>>) target(%dma_start3A_281 : memref<256xi32, #tpu.memory_space<vmem>>) target_semaphore(%arg10 : memref<!tpu.dma_semaphore, #tpu.memory_space<semaphore_mem>>)
      } else {
      }
    }
    %while3A_93 = arith.constant 0 : i64
    %while3A_94 = arith.constant 1 : i32
    %while3A_95 = arith.constant 0 : i32
    %while3A_96 = arith.constant 512 : i32
    %while3A_97 = arith.subi %while3A_96, %while3A_95 : i32
    %while3A_98 = arith.addi %while3A_95, %while3A_97 : i32
    %while3A_99 = arith.constant 1 : i32
    %while3A_100 = arith.divsi %while3A_97, %while3A_99 : i32
    %while3A_101 = arith.muli %while3A_100, %while3A_99 : i32
    %while3A_102 = arith.addi %while3A_95, %while3A_101 : i32
    %while3A_103 = arith.constant 1 : i32
    scf.for %while3A_261 = %while3A_95 to %while3A_102 step %while3A_103  : i32 {
      %jit3A_262 = arith.constant 2 : i64
      %convert_element_type3A_263 = arith.trunci %jit3A_262 : i64 to i32
      %eq3A = arith.constant 0 : i32
      %eq3A_264 = arith.cmpi eq, %convert_element_type3A_263, %eq3A : i32
      %jit3A_265 = arith.constant 1 : i32
      %select_n3A_266 = arith.select %eq3A_264, %jit3A_265, %convert_element_type3A_263 : i32
      %rem3A = arith.remsi %while3A_261, %select_n3A_266 : i32
      %ne3A = arith.constant 0 : i32
      %ne3A_267 = arith.cmpi ne, %rem3A, %ne3A : i32
      %lt3A_268 = arith.constant 0 : i32
      %lt3A_269 = arith.cmpi slt, %rem3A, %lt3A_268 : i32
      %lt3A_270 = arith.constant 0 : i32
      %lt3A_271 = arith.cmpi slt, %select_n3A_266, %lt3A_270 : i32
      %ne3A_272 = arith.xori %lt3A_269, %lt3A_271 : i1
      %and3A_273 = arith.andi %ne3A_272, %ne3A_267 : i1
      %add3A = arith.addi %rem3A, %select_n3A_266 : i32
      %select_n3A_274 = arith.select %and3A_273, %add3A, %rem3A : i32
      %eq3A_275 = arith.cmpi eq, %select_n3A_274, %while3A_94 : i32
      %convert_element_type3A_276 = arith.extui %eq3A_275 : i1 to i32
      %cond3A = arith.constant 0 : i32
      %cond3A_277 = arith.cmpi ne, %convert_element_type3A_276, %cond3A : i32
      scf.if %cond3A_277 {
        %get3A_278 = arith.index_cast %while3A_261 : i32 to index
        %get3A_279 = memref.load %arg0[%get3A_278] : memref<512xi32, #tpu.memory_space<smem>>
        %multiple_of3A = tpu.assume_multiple %get3A_279, 128 : i32
        %dma_wait3A = arith.constant 0 : i32
        %dma_wait3A_280 = tpu.memref_slice %arg8[%while3A_261, %dma_wait3A] : memref<512x256xi32, #tpu.memory_space<vmem>> -> memref<1x256xi32, #tpu.memory_space<vmem>>
        %dma_wait3A_281 = tpu.memref_squeeze %dma_wait3A_280 : memref<1x256xi32, #tpu.memory_space<vmem>> -> memref<256xi32, #tpu.memory_space<vmem>>
        %dma_wait3A_282 = tpu.memref_slice %arg6[%multiple_of3A] : memref<67108864xi32, #tpu.memory_space<any>> -> memref<256xi32, #tpu.memory_space<any>>
        tpu.wait_dma2 semaphore(%arg10 : memref<!tpu.dma_semaphore, #tpu.memory_space<semaphore_mem>>) src(%dma_wait3A_282 : memref<256xi32, #tpu.memory_space<any>>) dst(%dma_wait3A_281 : memref<256xi32, #tpu.memory_space<vmem>>)
      } else {
      }
    }
    %while3A_104 = arith.constant 1 : i32
    scf.for %while3A_261 = %while3A_102 to %while3A_98 step %while3A_104  : i32 {
      %jit3A_262 = arith.constant 2 : i64
      %convert_element_type3A_263 = arith.trunci %jit3A_262 : i64 to i32
      %eq3A = arith.constant 0 : i32
      %eq3A_264 = arith.cmpi eq, %convert_element_type3A_263, %eq3A : i32
      %jit3A_265 = arith.constant 1 : i32
      %select_n3A_266 = arith.select %eq3A_264, %jit3A_265, %convert_element_type3A_263 : i32
      %rem3A = arith.remsi %while3A_261, %select_n3A_266 : i32
      %ne3A = arith.constant 0 : i32
      %ne3A_267 = arith.cmpi ne, %rem3A, %ne3A : i32
      %lt3A_268 = arith.constant 0 : i32
      %lt3A_269 = arith.cmpi slt, %rem3A, %lt3A_268 : i32
      %lt3A_270 = arith.constant 0 : i32
      %lt3A_271 = arith.cmpi slt, %select_n3A_266, %lt3A_270 : i32
      %ne3A_272 = arith.xori %lt3A_269, %lt3A_271 : i1
      %and3A_273 = arith.andi %ne3A_272, %ne3A_267 : i1
      %add3A = arith.addi %rem3A, %select_n3A_266 : i32
      %select_n3A_274 = arith.select %and3A_273, %add3A, %rem3A : i32
      %eq3A_275 = arith.cmpi eq, %select_n3A_274, %while3A_94 : i32
      %convert_element_type3A_276 = arith.extui %eq3A_275 : i1 to i32
      %cond3A = arith.constant 0 : i32
      %cond3A_277 = arith.cmpi ne, %convert_element_type3A_276, %cond3A : i32
      scf.if %cond3A_277 {
        %get3A_278 = arith.index_cast %while3A_261 : i32 to index
        %get3A_279 = memref.load %arg0[%get3A_278] : memref<512xi32, #tpu.memory_space<smem>>
        %multiple_of3A = tpu.assume_multiple %get3A_279, 128 : i32
        %dma_wait3A = arith.constant 0 : i32
        %dma_wait3A_280 = tpu.memref_slice %arg8[%while3A_261, %dma_wait3A] : memref<512x256xi32, #tpu.memory_space<vmem>> -> memref<1x256xi32, #tpu.memory_space<vmem>>
        %dma_wait3A_281 = tpu.memref_squeeze %dma_wait3A_280 : memref<1x256xi32, #tpu.memory_space<vmem>> -> memref<256xi32, #tpu.memory_space<vmem>>
        %dma_wait3A_282 = tpu.memref_slice %arg6[%multiple_of3A] : memref<67108864xi32, #tpu.memory_space<any>> -> memref<256xi32, #tpu.memory_space<any>>
        tpu.wait_dma2 semaphore(%arg10 : memref<!tpu.dma_semaphore, #tpu.memory_space<semaphore_mem>>) src(%dma_wait3A_282 : memref<256xi32, #tpu.memory_space<any>>) dst(%dma_wait3A_281 : memref<256xi32, #tpu.memory_space<vmem>>)
      } else {
      }
    }
    %iota3A_105 = tpu.iota {dimensions = array<i32: 1>} : vector<512x256xi32>
    %get3A_106 = arith.constant 0 : index
    %get3A_107 = arith.constant 0 : index
    %get3A_108 = vector.load %arg2[%get3A_106, %get3A_107] : memref<512x1xi32, #tpu.memory_space<vmem>>, vector<512x1xi32>
    %sub3A_109 = vector.broadcast %get3A_108 : vector<512x1xi32> to vector<512x256xi32>
    %sub3A_110 = arith.subi %iota3A_105, %sub3A_109 : vector<512x256xi32>
    %jit3A_111 = arith.constant 0 : i64
    %jit3A_112 = arith.constant 7 : i64
    %convert_element_type3A_113 = arith.trunci %jit3A_111 : i64 to i32
    %max3A_114 = vector.broadcast %convert_element_type3A_113 : i32 to vector<512x256xi32>
    %max3A_115 = arith.maxsi %max3A_114, %sub3A_110 : vector<512x256xi32>
    %convert_element_type3A_116 = arith.trunci %jit3A_112 : i64 to i32
    %min3A_117 = vector.broadcast %convert_element_type3A_116 : i32 to vector<512x256xi32>
    %min3A_118 = arith.minsi %min3A_117, %max3A_115 : vector<512x256xi32>
    %min3A_119 = arith.constant 3 : i32
    %min3A_120 = vector.broadcast %min3A_119 : i32 to vector<512x256xi32>
    %min3A_121 = arith.minsi %min3A_118, %min3A_120 : vector<512x256xi32>
    %mul3A_122 = arith.constant 8 : i32
    %mul3A_123 = vector.broadcast %mul3A_122 : i32 to vector<512x256xi32>
    %mul3A_124 = arith.muli %mul3A_123, %min3A_121 : vector<512x256xi32>
    %lt3A_125 = arith.constant 4 : i32
    %lt3A_126 = vector.broadcast %lt3A_125 : i32 to vector<512x256xi32>
    %lt3A_127 = arith.cmpi slt, %min3A_118, %lt3A_126 : vector<512x256xi32>
    %get3A_128 = arith.constant 0 : index
    %get3A_129 = arith.constant 0 : index
    %get3A_130 = vector.load %arg4[%get3A_128, %get3A_129] : memref<512x1xi32, #tpu.memory_space<vmem>>, vector<512x1xi32>
    %shift_right_arithmetic3A_131 = vector.broadcast %get3A_130 : vector<512x1xi32> to vector<512x256xi32>
    %shift_right_arithmetic3A_132 = arith.shrsi %shift_right_arithmetic3A_131, %mul3A_124 : vector<512x256xi32>
    %and3A_133 = arith.constant 255 : i32
    %and3A_134 = vector.broadcast %and3A_133 : i32 to vector<512x256xi32>
    %and3A_135 = arith.andi %shift_right_arithmetic3A_132, %and3A_134 : vector<512x256xi32>
    %jit3A_136 = arith.constant 0 : i64
    %convert_element_type3A_137 = arith.trunci %jit3A_136 : i64 to i32
    %broadcast_in_dim3A_138 = vector.broadcast %convert_element_type3A_137 : i32 to vector<512x256xi32>
    %select_n3A_139 = arith.select %lt3A_127, %and3A_135, %broadcast_in_dim3A_138 : vector<512x256xi1>, vector<512x256xi32>
    %ge3A_140 = arith.constant 0 : i32
    %ge3A_141 = vector.broadcast %ge3A_140 : i32 to vector<512x256xi32>
    %ge3A_142 = arith.cmpi sge, %sub3A_110, %ge3A_141 : vector<512x256xi32>
    %lt3A_143 = arith.constant 8 : i32
    %lt3A_144 = vector.broadcast %lt3A_143 : i32 to vector<512x256xi32>
    %lt3A_145 = arith.cmpi slt, %sub3A_110, %lt3A_144 : vector<512x256xi32>
    %and3A_146 = arith.andi %ge3A_142, %lt3A_145 : vector<512x256xi1>
    %get3A_147 = arith.constant 0 : index
    %get3A_148 = arith.constant 0 : index
    %get3A_149 = vector.load %arg8[%get3A_147, %get3A_148] : memref<512x256xi32, #tpu.memory_space<vmem>>, vector<512x256xi32>
    %select_n3A_150 = arith.select %and3A_146, %select_n3A_139, %get3A_149 : vector<512x256xi1>, vector<512x256xi32>
    %swap3A_151 = arith.constant 0 : index
    %swap3A_152 = arith.constant 0 : index
    %swap3A_153 = vector.load %arg8[%swap3A_151, %swap3A_152] : memref<512x256xi32, #tpu.memory_space<vmem>>, vector<512x256xi32>
    tpu.vector_store %arg8[%swap3A_151, %swap3A_152], %select_n3A_150 {strides = array<i32>} : memref<512x256xi32, #tpu.memory_space<vmem>>, vector<512x256xi32>,
    %while3A_154 = arith.constant 0 : i64
    %while3A_155 = arith.constant 1 : i32
    %while3A_156 = arith.constant 0 : i32
    %while3A_157 = arith.constant 512 : i32
    %while3A_158 = arith.subi %while3A_157, %while3A_156 : i32
    %while3A_159 = arith.addi %while3A_156, %while3A_158 : i32
    %while3A_160 = arith.constant 1 : i32
    %while3A_161 = arith.divsi %while3A_158, %while3A_160 : i32
    %while3A_162 = arith.muli %while3A_161, %while3A_160 : i32
    %while3A_163 = arith.addi %while3A_156, %while3A_162 : i32
    %while3A_164 = arith.constant 1 : i32
    scf.for %while3A_261 = %while3A_156 to %while3A_163 step %while3A_164  : i32 {
      %jit3A_262 = arith.constant 2 : i64
      %convert_element_type3A_263 = arith.trunci %jit3A_262 : i64 to i32
      %eq3A = arith.constant 0 : i32
      %eq3A_264 = arith.cmpi eq, %convert_element_type3A_263, %eq3A : i32
      %jit3A_265 = arith.constant 1 : i32
      %select_n3A_266 = arith.select %eq3A_264, %jit3A_265, %convert_element_type3A_263 : i32
      %rem3A = arith.remsi %while3A_261, %select_n3A_266 : i32
      %ne3A = arith.constant 0 : i32
      %ne3A_267 = arith.cmpi ne, %rem3A, %ne3A : i32
      %lt3A_268 = arith.constant 0 : i32
      %lt3A_269 = arith.cmpi slt, %rem3A, %lt3A_268 : i32
      %lt3A_270 = arith.constant 0 : i32
      %lt3A_271 = arith.cmpi slt, %select_n3A_266, %lt3A_270 : i32
      %ne3A_272 = arith.xori %lt3A_269, %lt3A_271 : i1
      %and3A_273 = arith.andi %ne3A_272, %ne3A_267 : i1
      %add3A = arith.addi %rem3A, %select_n3A_266 : i32
      %select_n3A_274 = arith.select %and3A_273, %add3A, %rem3A : i32
      %eq3A_275 = arith.cmpi eq, %select_n3A_274, %while3A_155 : i32
      %convert_element_type3A_276 = arith.extui %eq3A_275 : i1 to i32
      %cond3A = arith.constant 0 : i32
      %cond3A_277 = arith.cmpi ne, %convert_element_type3A_276, %cond3A : i32
      scf.if %cond3A_277 {
        %get3A_278 = arith.index_cast %while3A_261 : i32 to index
        %get3A_279 = memref.load %arg0[%get3A_278] : memref<512xi32, #tpu.memory_space<smem>>
        %multiple_of3A = tpu.assume_multiple %get3A_279, 128 : i32
        %dma_start3A = tpu.memref_slice %arg6[%multiple_of3A] : memref<67108864xi32, #tpu.memory_space<any>> -> memref<256xi32, #tpu.memory_space<any>>
        %dma_start3A_280 = arith.constant 0 : i32
        %dma_start3A_281 = tpu.memref_slice %arg8[%while3A_261, %dma_start3A_280] : memref<512x256xi32, #tpu.memory_space<vmem>> -> memref<1x256xi32, #tpu.memory_space<vmem>>
        %dma_start3A_282 = tpu.memref_squeeze %dma_start3A_281 : memref<1x256xi32, #tpu.memory_space<vmem>> -> memref<256xi32, #tpu.memory_space<vmem>>
        tpu.enqueue_dma source(%dma_start3A_282 : memref<256xi32, #tpu.memory_space<vmem>>) target(%dma_start3A : memref<256xi32, #tpu.memory_space<any>>) target_semaphore(%arg10 : memref<!tpu.dma_semaphore, #tpu.memory_space<semaphore_mem>>)
      } else {
      }
    }
    %while3A_165 = arith.constant 1 : i32
    scf.for %while3A_261 = %while3A_163 to %while3A_159 step %while3A_165  : i32 {
      %jit3A_262 = arith.constant 2 : i64
      %convert_element_type3A_263 = arith.trunci %jit3A_262 : i64 to i32
      %eq3A = arith.constant 0 : i32
      %eq3A_264 = arith.cmpi eq, %convert_element_type3A_263, %eq3A : i32
      %jit3A_265 = arith.constant 1 : i32
      %select_n3A_266 = arith.select %eq3A_264, %jit3A_265, %convert_element_type3A_263 : i32
      %rem3A = arith.remsi %while3A_261, %select_n3A_266 : i32
      %ne3A = arith.constant 0 : i32
      %ne3A_267 = arith.cmpi ne, %rem3A, %ne3A : i32
      %lt3A_268 = arith.constant 0 : i32
      %lt3A_269 = arith.cmpi slt, %rem3A, %lt3A_268 : i32
      %lt3A_270 = arith.constant 0 : i32
      %lt3A_271 = arith.cmpi slt, %select_n3A_266, %lt3A_270 : i32
      %ne3A_272 = arith.xori %lt3A_269, %lt3A_271 : i1
      %and3A_273 = arith.andi %ne3A_272, %ne3A_267 : i1
      %add3A = arith.addi %rem3A, %select_n3A_266 : i32
      %select_n3A_274 = arith.select %and3A_273, %add3A, %rem3A : i32
      %eq3A_275 = arith.cmpi eq, %select_n3A_274, %while3A_155 : i32
      %convert_element_type3A_276 = arith.extui %eq3A_275 : i1 to i32
      %cond3A = arith.constant 0 : i32
      %cond3A_277 = arith.cmpi ne, %convert_element_type3A_276, %cond3A : i32
      scf.if %cond3A_277 {
        %get3A_278 = arith.index_cast %while3A_261 : i32 to index
        %get3A_279 = memref.load %arg0[%get3A_278] : memref<512xi32, #tpu.memory_space<smem>>
        %multiple_of3A = tpu.assume_multiple %get3A_279, 128 : i32
        %dma_start3A = tpu.memref_slice %arg6[%multiple_of3A] : memref<67108864xi32, #tpu.memory_space<any>> -> memref<256xi32, #tpu.memory_space<any>>
        %dma_start3A_280 = arith.constant 0 : i32
        %dma_start3A_281 = tpu.memref_slice %arg8[%while3A_261, %dma_start3A_280] : memref<512x256xi32, #tpu.memory_space<vmem>> -> memref<1x256xi32, #tpu.memory_space<vmem>>
        %dma_start3A_282 = tpu.memref_squeeze %dma_start3A_281 : memref<1x256xi32, #tpu.memory_space<vmem>> -> memref<256xi32, #tpu.memory_space<vmem>>
        tpu.enqueue_dma source(%dma_start3A_282 : memref<256xi32, #tpu.memory_space<vmem>>) target(%dma_start3A : memref<256xi32, #tpu.memory_space<any>>) target_semaphore(%arg10 : memref<!tpu.dma_semaphore, #tpu.memory_space<semaphore_mem>>)
      } else {
      }
    }
    %while3A_166 = arith.constant 0 : i64
    %while3A_167 = arith.constant 1 : i32
    %while3A_168 = arith.constant 0 : i32
    %while3A_169 = arith.constant 512 : i32
    %while3A_170 = arith.subi %while3A_169, %while3A_168 : i32
    %while3A_171 = arith.addi %while3A_168, %while3A_170 : i32
    %while3A_172 = arith.constant 1 : i32
    %while3A_173 = arith.divsi %while3A_170, %while3A_172 : i32
    %while3A_174 = arith.muli %while3A_173, %while3A_172 : i32
    %while3A_175 = arith.addi %while3A_168, %while3A_174 : i32
    %while3A_176 = arith.constant 1 : i32
    scf.for %while3A_261 = %while3A_168 to %while3A_175 step %while3A_176  : i32 {
      %jit3A_262 = arith.constant 2 : i64
      %convert_element_type3A_263 = arith.trunci %jit3A_262 : i64 to i32
      %eq3A = arith.constant 0 : i32
      %eq3A_264 = arith.cmpi eq, %convert_element_type3A_263, %eq3A : i32
      %jit3A_265 = arith.constant 1 : i32
      %select_n3A_266 = arith.select %eq3A_264, %jit3A_265, %convert_element_type3A_263 : i32
      %rem3A = arith.remsi %while3A_261, %select_n3A_266 : i32
      %ne3A = arith.constant 0 : i32
      %ne3A_267 = arith.cmpi ne, %rem3A, %ne3A : i32
      %lt3A_268 = arith.constant 0 : i32
      %lt3A_269 = arith.cmpi slt, %rem3A, %lt3A_268 : i32
      %lt3A_270 = arith.constant 0 : i32
      %lt3A_271 = arith.cmpi slt, %select_n3A_266, %lt3A_270 : i32
      %ne3A_272 = arith.xori %lt3A_269, %lt3A_271 : i1
      %and3A_273 = arith.andi %ne3A_272, %ne3A_267 : i1
      %add3A = arith.addi %rem3A, %select_n3A_266 : i32
      %select_n3A_274 = arith.select %and3A_273, %add3A, %rem3A : i32
      %eq3A_275 = arith.cmpi eq, %select_n3A_274, %while3A_167 : i32
      %convert_element_type3A_276 = arith.extui %eq3A_275 : i1 to i32
      %cond3A = arith.constant 0 : i32
      %cond3A_277 = arith.cmpi ne, %convert_element_type3A_276, %cond3A : i32
      scf.if %cond3A_277 {
        %get3A_278 = arith.index_cast %while3A_261 : i32 to index
        %get3A_279 = memref.load %arg0[%get3A_278] : memref<512xi32, #tpu.memory_space<smem>>
        %multiple_of3A = tpu.assume_multiple %get3A_279, 128 : i32
        %dma_wait3A = tpu.memref_slice %arg6[%multiple_of3A] : memref<67108864xi32, #tpu.memory_space<any>> -> memref<256xi32, #tpu.memory_space<any>>
        %dma_wait3A_280 = arith.constant 0 : i32
        %dma_wait3A_281 = tpu.memref_slice %arg8[%while3A_261, %dma_wait3A_280] : memref<512x256xi32, #tpu.memory_space<vmem>> -> memref<1x256xi32, #tpu.memory_space<vmem>>
        %dma_wait3A_282 = tpu.memref_squeeze %dma_wait3A_281 : memref<1x256xi32, #tpu.memory_space<vmem>> -> memref<256xi32, #tpu.memory_space<vmem>>
        tpu.wait_dma2 semaphore(%arg10 : memref<!tpu.dma_semaphore, #tpu.memory_space<semaphore_mem>>) src(%dma_wait3A_282 : memref<256xi32, #tpu.memory_space<vmem>>) dst(%dma_wait3A : memref<256xi32, #tpu.memory_space<any>>)
      } else {
      }
    }
    %while3A_177 = arith.constant 1 : i32
    scf.for %while3A_261 = %while3A_175 to %while3A_171 step %while3A_177  : i32 {
      %jit3A_262 = arith.constant 2 : i64
      %convert_element_type3A_263 = arith.trunci %jit3A_262 : i64 to i32
      %eq3A = arith.constant 0 : i32
      %eq3A_264 = arith.cmpi eq, %convert_element_type3A_263, %eq3A : i32
      %jit3A_265 = arith.constant 1 : i32
      %select_n3A_266 = arith.select %eq3A_264, %jit3A_265, %convert_element_type3A_263 : i32
      %rem3A = arith.remsi %while3A_261, %select_n3A_266 : i32
      %ne3A = arith.constant 0 : i32
      %ne3A_267 = arith.cmpi ne, %rem3A, %ne3A : i32
      %lt3A_268 = arith.constant 0 : i32
      %lt3A_269 = arith.cmpi slt, %rem3A, %lt3A_268 : i32
      %lt3A_270 = arith.constant 0 : i32
      %lt3A_271 = arith.cmpi slt, %select_n3A_266, %lt3A_270 : i32
      %ne3A_272 = arith.xori %lt3A_269, %lt3A_271 : i1
      %and3A_273 = arith.andi %ne3A_272, %ne3A_267 : i1
      %add3A = arith.addi %rem3A, %select_n3A_266 : i32
      %select_n3A_274 = arith.select %and3A_273, %add3A, %rem3A : i32
      %eq3A_275 = arith.cmpi eq, %select_n3A_274, %while3A_167 : i32
      %convert_element_type3A_276 = arith.extui %eq3A_275 : i1 to i32
      %cond3A = arith.constant 0 : i32
      %cond3A_277 = arith.cmpi ne, %convert_element_type3A_276, %cond3A : i32
      scf.if %cond3A_277 {
        %get3A_278 = arith.index_cast %while3A_261 : i32 to index
        %get3A_279 = memref.load %arg0[%get3A_278] : memref<512xi32, #tpu.memory_space<smem>>
        %multiple_of3A = tpu.assume_multiple %get3A_279, 128 : i32
        %dma_wait3A = tpu.memref_slice %arg6[%multiple_of3A] : memref<67108864xi32, #tpu.memory_space<any>> -> memref<256xi32, #tpu.memory_space<any>>
        %dma_wait3A_280 = arith.constant 0 : i32
        %dma_wait3A_281 = tpu.memref_slice %arg8[%while3A_261, %dma_wait3A_280] : memref<512x256xi32, #tpu.memory_space<vmem>> -> memref<1x256xi32, #tpu.memory_space<vmem>>
        %dma_wait3A_282 = tpu.memref_squeeze %dma_wait3A_281 : memref<1x256xi32, #tpu.memory_space<vmem>> -> memref<256xi32, #tpu.memory_space<vmem>>
        tpu.wait_dma2 semaphore(%arg10 : memref<!tpu.dma_semaphore, #tpu.memory_space<semaphore_mem>>) src(%dma_wait3A_282 : memref<256xi32, #tpu.memory_space<vmem>>) dst(%dma_wait3A : memref<256xi32, #tpu.memory_space<any>>)
      } else {
      }
    }
    %while3A_178 = arith.constant 0 : i64
    %while3A_179 = arith.constant 0 : i32
    %while3A_180 = arith.constant 512 : i32
    %while3A_181 = arith.subi %while3A_180, %while3A_179 : i32
    %while3A_182 = arith.addi %while3A_179, %while3A_181 : i32
    %while3A_183 = arith.constant 1 : i32
    %while3A_184 = arith.divsi %while3A_181, %while3A_183 : i32
    %while3A_185 = arith.muli %while3A_184, %while3A_183 : i32
    %while3A_186 = arith.addi %while3A_179, %while3A_185 : i32
    %while3A_187 = arith.constant 1 : i32
    scf.for %while3A_261 = %while3A_179 to %while3A_186 step %while3A_187  : i32 {
      %get3A_262 = arith.index_cast %while3A_261 : i32 to index
      %get3A_263 = memref.load %arg1[%get3A_262] : memref<512xi32, #tpu.memory_space<smem>>
      %multiple_of3A = tpu.assume_multiple %get3A_263, 128 : i32
      %dma_start3A = arith.constant 0 : i32
      %dma_start3A_264 = tpu.memref_slice %arg9[%while3A_261, %dma_start3A] : memref<512x256xi32, #tpu.memory_space<vmem>> -> memref<1x256xi32, #tpu.memory_space<vmem>>
      %dma_start3A_265 = tpu.memref_squeeze %dma_start3A_264 : memref<1x256xi32, #tpu.memory_space<vmem>> -> memref<256xi32, #tpu.memory_space<vmem>>
      %dma_start3A_266 = tpu.memref_slice %arg6[%multiple_of3A] : memref<67108864xi32, #tpu.memory_space<any>> -> memref<256xi32, #tpu.memory_space<any>>
      tpu.enqueue_dma source(%dma_start3A_266 : memref<256xi32, #tpu.memory_space<any>>) target(%dma_start3A_265 : memref<256xi32, #tpu.memory_space<vmem>>) target_semaphore(%arg10 : memref<!tpu.dma_semaphore, #tpu.memory_space<semaphore_mem>>)
    }
    %while3A_188 = arith.constant 1 : i32
    scf.for %while3A_261 = %while3A_186 to %while3A_182 step %while3A_188  : i32 {
      %get3A_262 = arith.index_cast %while3A_261 : i32 to index
      %get3A_263 = memref.load %arg1[%get3A_262] : memref<512xi32, #tpu.memory_space<smem>>
      %multiple_of3A = tpu.assume_multiple %get3A_263, 128 : i32
      %dma_start3A = arith.constant 0 : i32
      %dma_start3A_264 = tpu.memref_slice %arg9[%while3A_261, %dma_start3A] : memref<512x256xi32, #tpu.memory_space<vmem>> -> memref<1x256xi32, #tpu.memory_space<vmem>>
      %dma_start3A_265 = tpu.memref_squeeze %dma_start3A_264 : memref<1x256xi32, #tpu.memory_space<vmem>> -> memref<256xi32, #tpu.memory_space<vmem>>
      %dma_start3A_266 = tpu.memref_slice %arg6[%multiple_of3A] : memref<67108864xi32, #tpu.memory_space<any>> -> memref<256xi32, #tpu.memory_space<any>>
      tpu.enqueue_dma source(%dma_start3A_266 : memref<256xi32, #tpu.memory_space<any>>) target(%dma_start3A_265 : memref<256xi32, #tpu.memory_space<vmem>>) target_semaphore(%arg10 : memref<!tpu.dma_semaphore, #tpu.memory_space<semaphore_mem>>)
    }
    %while3A_189 = arith.constant 0 : i64
    %while3A_190 = arith.constant 0 : i32
    %while3A_191 = arith.constant 512 : i32
    %while3A_192 = arith.subi %while3A_191, %while3A_190 : i32
    %while3A_193 = arith.addi %while3A_190, %while3A_192 : i32
    %while3A_194 = arith.constant 1 : i32
    %while3A_195 = arith.divsi %while3A_192, %while3A_194 : i32
    %while3A_196 = arith.muli %while3A_195, %while3A_194 : i32
    %while3A_197 = arith.addi %while3A_190, %while3A_196 : i32
    %while3A_198 = arith.constant 1 : i32
    scf.for %while3A_261 = %while3A_190 to %while3A_197 step %while3A_198  : i32 {
      %get3A_262 = arith.index_cast %while3A_261 : i32 to index
      %get3A_263 = memref.load %arg1[%get3A_262] : memref<512xi32, #tpu.memory_space<smem>>
      %multiple_of3A = tpu.assume_multiple %get3A_263, 128 : i32
      %dma_wait3A = arith.constant 0 : i32
      %dma_wait3A_264 = tpu.memref_slice %arg9[%while3A_261, %dma_wait3A] : memref<512x256xi32, #tpu.memory_space<vmem>> -> memref<1x256xi32, #tpu.memory_space<vmem>>
      %dma_wait3A_265 = tpu.memref_squeeze %dma_wait3A_264 : memref<1x256xi32, #tpu.memory_space<vmem>> -> memref<256xi32, #tpu.memory_space<vmem>>
      %dma_wait3A_266 = tpu.memref_slice %arg6[%multiple_of3A] : memref<67108864xi32, #tpu.memory_space<any>> -> memref<256xi32, #tpu.memory_space<any>>
      tpu.wait_dma2 semaphore(%arg10 : memref<!tpu.dma_semaphore, #tpu.memory_space<semaphore_mem>>) src(%dma_wait3A_266 : memref<256xi32, #tpu.memory_space<any>>) dst(%dma_wait3A_265 : memref<256xi32, #tpu.memory_space<vmem>>)
    }
    %while3A_199 = arith.constant 1 : i32
    scf.for %while3A_261 = %while3A_197 to %while3A_193 step %while3A_199  : i32 {
      %get3A_262 = arith.index_cast %while3A_261 : i32 to index
      %get3A_263 = memref.load %arg1[%get3A_262] : memref<512xi32, #tpu.memory_space<smem>>
      %multiple_of3A = tpu.assume_multiple %get3A_263, 128 : i32
      %dma_wait3A = arith.constant 0 : i32
      %dma_wait3A_264 = tpu.memref_slice %arg9[%while3A_261, %dma_wait3A] : memref<512x256xi32, #tpu.memory_space<vmem>> -> memref<1x256xi32, #tpu.memory_space<vmem>>
      %dma_wait3A_265 = tpu.memref_squeeze %dma_wait3A_264 : memref<1x256xi32, #tpu.memory_space<vmem>> -> memref<256xi32, #tpu.memory_space<vmem>>
      %dma_wait3A_266 = tpu.memref_slice %arg6[%multiple_of3A] : memref<67108864xi32, #tpu.memory_space<any>> -> memref<256xi32, #tpu.memory_space<any>>
      tpu.wait_dma2 semaphore(%arg10 : memref<!tpu.dma_semaphore, #tpu.memory_space<semaphore_mem>>) src(%dma_wait3A_266 : memref<256xi32, #tpu.memory_space<any>>) dst(%dma_wait3A_265 : memref<256xi32, #tpu.memory_space<vmem>>)
    }
    %iota3A_200 = tpu.iota {dimensions = array<i32: 1>} : vector<512x256xi32>
    %get3A_201 = arith.constant 0 : index
    %get3A_202 = arith.constant 0 : index
    %get3A_203 = vector.load %arg3[%get3A_201, %get3A_202] : memref<512x1xi32, #tpu.memory_space<vmem>>, vector<512x1xi32>
    %sub3A_204 = vector.broadcast %get3A_203 : vector<512x1xi32> to vector<512x256xi32>
    %sub3A_205 = arith.subi %iota3A_200, %sub3A_204 : vector<512x256xi32>
    %jit3A_206 = arith.constant 0 : i64
    %jit3A_207 = arith.constant 7 : i64
    %convert_element_type3A_208 = arith.trunci %jit3A_206 : i64 to i32
    %max3A_209 = vector.broadcast %convert_element_type3A_208 : i32 to vector<512x256xi32>
    %max3A_210 = arith.maxsi %max3A_209, %sub3A_205 : vector<512x256xi32>
    %convert_element_type3A_211 = arith.trunci %jit3A_207 : i64 to i32
    %min3A_212 = vector.broadcast %convert_element_type3A_211 : i32 to vector<512x256xi32>
    %min3A_213 = arith.minsi %min3A_212, %max3A_210 : vector<512x256xi32>
    %ge3A_214 = arith.constant 0 : i32
    %ge3A_215 = vector.broadcast %ge3A_214 : i32 to vector<512x256xi32>
    %ge3A_216 = arith.cmpi sge, %sub3A_205, %ge3A_215 : vector<512x256xi32>
    %lt3A_217 = arith.constant 8 : i32
    %lt3A_218 = vector.broadcast %lt3A_217 : i32 to vector<512x256xi32>
    %lt3A_219 = arith.cmpi slt, %sub3A_205, %lt3A_218 : vector<512x256xi32>
    %and3A_220 = arith.andi %ge3A_216, %lt3A_219 : vector<512x256xi1>
    %get3A_221 = arith.constant 0 : index
    %get3A_222 = arith.constant 0 : index
    %get3A_223 = vector.load %arg9[%get3A_221, %get3A_222] : memref<512x256xi32, #tpu.memory_space<vmem>>, vector<512x256xi32>
    %lt3A_224 = arith.constant 4 : i32
    %lt3A_225 = vector.broadcast %lt3A_224 : i32 to vector<512x256xi32>
    %lt3A_226 = arith.cmpi slt, %min3A_213, %lt3A_225 : vector<512x256xi32>
    %and3A_227 = arith.andi %and3A_220, %lt3A_226 : vector<512x256xi1>
    %min3A_228 = arith.constant 3 : i32
    %min3A_229 = vector.broadcast %min3A_228 : i32 to vector<512x256xi32>
    %min3A_230 = arith.minsi %min3A_213, %min3A_229 : vector<512x256xi32>
    %mul3A_231 = arith.constant 8 : i32
    %mul3A_232 = vector.broadcast %mul3A_231 : i32 to vector<512x256xi32>
    %mul3A_233 = arith.muli %mul3A_232, %min3A_230 : vector<512x256xi32>
    %shift_left3A = arith.shli %get3A_223, %mul3A_233 : vector<512x256xi32>
    %jit3A_234 = arith.constant 0 : i64
    %convert_element_type3A_235 = arith.trunci %jit3A_234 : i64 to i32
    %broadcast_in_dim3A_236 = vector.broadcast %convert_element_type3A_235 : i32 to vector<512x256xi32>
    %select_n3A_237 = arith.select %and3A_227, %shift_left3A, %broadcast_in_dim3A_236 : vector<512x256xi1>, vector<512x256xi32>
    %reduce_sum3A = arith.constant dense<0> : vector<512xi32>
    %reduce_sum3A_238 = vector.multi_reduction <add>, %select_n3A_237, %reduce_sum3A [1] : vector<512x256xi32> to vector<512xi32>
    %broadcast_in_dim3A_239 = vector.shape_cast %reduce_sum3A_238 : vector<512xi32> to vector<512x1xi32>
    %ge3A_240 = arith.constant 4 : i32
    %ge3A_241 = vector.broadcast %ge3A_240 : i32 to vector<512x256xi32>
    %ge3A_242 = arith.cmpi sge, %min3A_213, %ge3A_241 : vector<512x256xi32>
    %and3A_243 = arith.andi %and3A_220, %ge3A_242 : vector<512x256xi1>
    %sub3A_244 = arith.constant 4 : i32
    %sub3A_245 = vector.broadcast %sub3A_244 : i32 to vector<512x256xi32>
    %sub3A_246 = arith.subi %min3A_213, %sub3A_245 : vector<512x256xi32>
    %mul3A_247 = arith.constant 8 : i32
    %mul3A_248 = vector.broadcast %mul3A_247 : i32 to vector<512x256xi32>
    %mul3A_249 = arith.muli %mul3A_248, %sub3A_246 : vector<512x256xi32>
    %shift_left3A_250 = arith.shli %get3A_223, %mul3A_249 : vector<512x256xi32>
    %jit3A_251 = arith.constant 0 : i64
    %convert_element_type3A_252 = arith.trunci %jit3A_251 : i64 to i32
    %broadcast_in_dim3A_253 = vector.broadcast %convert_element_type3A_252 : i32 to vector<512x256xi32>
    %select_n3A_254 = arith.select %and3A_243, %shift_left3A_250, %broadcast_in_dim3A_253 : vector<512x256xi1>, vector<512x256xi32>
    %reduce_sum3A_255 = arith.constant dense<0> : vector<512xi32>
    %reduce_sum3A_256 = vector.multi_reduction <add>, %select_n3A_254, %reduce_sum3A_255 [1] : vector<512x256xi32> to vector<512xi32>
    %broadcast_in_dim3A_257 = vector.shape_cast %reduce_sum3A_256 : vector<512xi32> to vector<512x1xi32>
    %concatenate3A = tpu.concatenate %broadcast_in_dim3A_239, %broadcast_in_dim3A_257 in 1 : vector<512x1xi32>, vector<512x1xi32> -> vector<512x2xi32>
    %swap3A_258 = arith.constant 0 : index
    %swap3A_259 = arith.constant 0 : index
    %swap3A_260 = vector.load %arg7[%swap3A_258, %swap3A_259] : memref<512x2xi32, #tpu.memory_space<vmem>>, vector<512x2xi32>
    tpu.vector_store %arg7[%swap3A_258, %swap3A_259], %concatenate3A {strides = array<i32>} : memref<512x2xi32, #tpu.memory_space<vmem>>, vector<512x2xi32>,
    return
  }
}

</mosaic_0001>

<sc_bundles>
// kernel: sparse-core-data-format-call.cloned.1.call-start
scs
called_computation_lowered:
.L_overlay_start_0:
0x0: {  	s2 =	sld [smem:$0x3FD9]  }
0x1: {  	s3 =	sld [smem:$0x3FFE];
	_ =	sdelay $0x1  }
0x2: {  	s1 =	srdreg.scid  }
0x3: {  	s0 =	sand.u32 $0x1, s1  }
0x4: {  	s15 =	sshll.u32 s0, $0xA;
	s2 =	sadd.s32 s3, s2  }
0x5: {  	s2 =	sadd.s32 s2, s15  }
0x6: {  	[smem:$0x3FC4] =	sst s2  }
0x7: {  	_ = 	snop  }
0x8: {  	s2 =	sld [smem:$0x3FD0];
	_ =	sdelay $0x2  }
0x9: {  	s16 =	simm.s32 $0xA;
	s4 =	simm.s32 $0x10  }
0xa: {  	[smem:s4], [sflag:s16] =	dma.local [hbm:s2], $0x1  }
0xb: {  	_ =	swait.eq [sflag:s16], $0x1  }
0xc: {  	[sflag:s16] =	ssyncset.done $0x0  }
0xd: {  	[sflag:s16] =	ssyncadd.s32 $0xFFFFFFFF  }
0xe: {  	s17 =	sld [smem:$0x11];
	(tm) =	ssettm $0x1  }
0xf: {  	s18 =	sld [smem:$0x3FFB];
	_ =	sdelay $0x3  }
0x10: {  	_ =	strace s18  }
0x11: {  	s3 =	sld [smem:$0x3FFC];
	_ =	sdelay $0x3  }
0x12: {  	_ =	strace s3  }
0x13: {  	s3 =	sld [smem:$0x3FFD];
	_ =	sdelay $0x3  }
0x14: {  	_ =	strace s3  }
0x15: {  	_ =	strace $0x8FFFFFFF  }
0x16: {  	s19 =	sld [smem:$0x3FDB];
	_ =	sdelay $0x1  }
0x17: {  	s20 =	simm.s32 $_scs_section_size  }
0x18: {  	s5 =	simm.s32 $_size__tile_overlayer_lowered;
	s6 =	simm.s32 $_tile_overlayer_lowered  }
0x19: {  	s23 =	simm.s32 $0x1BFF;
	s22 =	sshll.u32 s6, $0x1;
	s3 =	sadd.s32 s20, s19  }
0x1a: {  	s7 =	simm.s32 $0x0;
	s21 =	sshll.u32 s5, $0x1;
	s5 =	sadd.s32 s22, s3  }
0x1b: {  	[timem:s7], [sflag:s23] =	dma.local [hbm:s5], s21  }
0x1c: {  	_ =	swait.ge [sflag:s23], s21  }
0x1d: {  	s4 =	ssub.s32 $0x0, s21;
	[sflag:s23] =	ssyncset.done $0x0  }
0x1e: {  	[sflag:s23] =	ssyncadd.s32 s4;
	_ =	sdelay $0x1  }
0x1f: {  	s24 =	simm.s32 $0x1B8B  }
0x20: {  	_ =	swait.ge [sflag:s24], $0x1  }
0x21: {  	[sflag:s24] =	ssyncset.done $0x0  }
0x22: {  	s26 =	simm.s32 $0x1B8E;
	s25 =	sld [smem:$0x3FFE];
	[sflag:s24] =	ssyncadd.s32 $0xFFFFFFFF  }
0x23: {  	s27 =	simm.s32 $execute0_lowered;
	[smem:$0x3FD2] =	sst s26  }
0x24: {  	s5 =	sshll.u32 s27, $0x1;
	_ =	strace $0x80000046;
	[dreg:$0x1] =	wrdreg $0xFFFFFFFF  }
0x25: {  	s28 =	simm.s32 $_size_execute0_lowered;
	s3 =	sadd.s32 s3, s5;
	[dreg:$0x0] =	wrdreg $0x0  }
0x26: {  	s5 =	sshll.u32 s28, $0x1;
	[dreg:$0x2] =	wrdreg s3  }
0x27: {  	[dreg:$0x3] =	wrdreg s5  }
0x28: {  	[dreg:$0x4] =	wrdreg $0xC0  }
0x29: {  	_ =	task [dreg:s7], $0x5FFFF  }
0x2a: {  	[dreg:$0x1] =	wrdreg $0xFFFFFFFF  }
0x2b: {  	[dreg:$0x0] =	wrdreg $0x60  }
0x2c: {  	[dreg:$0x2] =	wrdreg s25  }
0x2d: {  	[dreg:$0x3] =	wrdreg s17  }
0x2e: {  	[dreg:$0x4] =	wrdreg $0x9  }
0x2f: {  	_ =	task.clear_ibuf [dreg:s7], $0x5FFFF;
	_ =	strace $0x90000046  }
0x30: {  	s29 =	simm.s32 $0x9;
	_ =	strace $0x80000048  }
0x31: {  	_ =	swait.ge [sflag:s29], $0x1  }
0x32: {  	[sflag:s29] =	ssyncadd.s32 $0xFFFFFFFF  }
0x33: {  	_ =	strace $0x90000048  }
0x34: {  	_ =	sfence  }
0x35: {  	s30 =	sld [smem:$0x0];
	_ =	sdelay $0x2  }
0x36: {  	s31 =	sshll.u32 s1, $0xD;
	s1 =	sshrl.u32 s1, $0x2  }
0x37: {  	s3 =	sand.u32 $0x4000, s31;
	s1 =	sadd.s32 s1, s30  }
0x38: {  	s0 =	sor.u32 s3, s0;
	s1 =	sshll.u32 s1, $0x11  }
0x39: {  	s0 =	sor.u32 s1, s0  }
0x3a: {  	s0 =	sadd.s32 $0x8F2B, s0  }
0x3b: {  	[sflag:s0] =	ssyncadd.remote.s32 $0x1  }
0x3c: {  	_ =	sfence.sel $0xFFFF  }
0x3d: {  	[dreg:$0x0] =	wrdreg $0xFFFFFFFF;
	(pc) =	sbr.abs _section_cstart, $3  }
0x3e: {  	[dreg:$0x1] =	wrdreg $0xFFFFFFFF  }
0x3f: {  	_ =	task.clear_ibuf [dreg:s7], $0x2FFFF;
	_ =	strace $0x9FFFFFFF  }
0x40: {  	(tm) =	ssettm $0x7FFFFFFF  }
0x41: {  	_ =	shalt  }
tec
execute0_lowered:
.L_overlay_start_1:
0x0: {  	(tag) =	ssettag $0x1  }
0x1: {  	s1 =	rddreg [dreg:$0x0]  }
0x2: {  	s2 =	rddreg [dreg:$0x1]  }
0x3: {  	s0 =	rddreg [dreg:$0x2];
	_ =	strace $0x80000047;
	s4 =	srdreg.scid  }
0x4: {  	s6 =	simm.s32 $0x2;
	s11 =	simm.s32 $0x0;
	p0 =	por $0x0, $0x0  }
.Ltmp0:
0x5: {  	s7 =	simm.s32 $0x20000;
	s12 =	simm.s32 $0x0;
	(pc) =	sbr.rel .LBB1_1-.Ltmp0, $4  }
0x6: {  	s9 =	simm.s32 $0x0;
	s3 =	sadd.s32 $0x200, s1;
	s5 =	sshll.u32 s4, $0x4  }
0x7: {  	s1 =	stileid.u32;
	s4 =	simm.s32 $0x1;
	s5 =	sand.u32 $0x10, s5  }
0x8: {  	s8 =	simm.s32 $0x0;
	[sflag:s4] =	ssyncpa.u1 $0x0;
	s5 =	sor.u32 s1, s5  }
0x9: {  	[sflag:s6] =	ssyncpa.u1 $0x0;
	s6 =	simm.s32 $0x800;
	s10 =	smov.u32 s5  }
.LBB1_7:
0xa: {  	s13 =	sadd.s32 $0x10, s9  }
0xb: {  	s11 =	sadd.s32 $0x20, s10;
	s15 =	smov.u32 s10;
	p2 =	sgt.s32 s13, $0x3FF  }
0xc: {  	p1 =	slt.u32 s8, $0x2;
	s15 =	smov.u32 @p2 s11  }
0xd: {  	s8 =	sadd.s32 $0x1, s8;
	s13 =	simm.s32 @p2 $0x0;
	p2 =	sgt.s32 s15, $0x3F  }
0xe: {  	s15 =	smov.u32 @p2 s5;
	p2 =	sne.s32 s8, $0x82  }
.Ltmp1:
0xf: {  	_ = 	snop;
	(pc) =	sbr.rel @!p2 .LBB1_8-.Ltmp1, $4  }
0x10: {  	s14 =	simm.s32 @!p1 $0x2  }
0x11: {  	s12 =	smov.u32 s10;
	_ =	swait.ge @!p1 [sflag:s14], $0x4000  }
0x12: {  	p0 =	por !p0, !p0;
	s11 =	smov.u32 s9;
	[sflag:s14] =	ssyncset.done @!p1 $0x0  }
0x13: {  	s9 =	smov.u32 s13;
	[sflag:s14] =	ssyncadd.s32 @!p1 $0xFFFFC000;
	s10 =	smov.u32 s15  }
.LBB1_1:
0x14: {  	p1 =	sgt.u32 s8, $0x7F  }
0x15: {  	s13 =	sxor.u32 @!p1 $0xFFFFFFFF, s8;
	s14 =	sshll.u32 @!p1 s10, $0x11  }
0x16: {  	s15 =	sshll.u32 @!p1 s9, $0x7;
	s13 =	sshll.u32 @!p1 s13, $0xE;
	s14 =	sadd.s32 @!p1 s3, s14  }
0x17: {  	s13 =	sand.u32 @!p1 $0x4000, s13;
	s14 =	sadd.s32 @!p1 s15, s14;
	s15 =	simm.s32 @!p1 $0x0  }
0x18: {  	[tilespmem:s13], [sflag:$0x1] =	stream.linear.gather @!p1 [hbm4b:s14+s15], $0x4000, $0x38;
	[tilespmem:$0x10000] =	vst v63  }
0x19: {  	p1 =	seq.s32 s8, $0x0  }
0x1a: {  	p2 =	seq.s32 @!p1 s8, $0x81  }
0x1b: {  	p1 =	por p1, p2  }
.Ltmp2:
0x1c: {  	_ = 	snop;
	(pc) =	sbr.rel @p1 .LBB1_7-.Ltmp2, $1  }
0x1d: {  	_ =	sdelay $0x3  }
0x1e: {  	s13 =	simm.s32 $0x1;
	_ =	swait.ge [sflag:s4], $0x4000;
	s16 =	sshll.u32 s8, $0xE  }
0x1f: {  	s13 =	simm.s32 @!p0 $0x0;
	[sflag:s4] =	ssyncset.done $0x0;
	s31 =	sand.u32 $0x4000, s16  }
0x20: {  	s16 =	simm.s32 $0x0;
	s14 =	sshll.u32 s13, $0xE;
	[sflag:s4] =	ssyncadd.s32 $0xFFFFC000  }
0x21: {  	s13 =	sor.u32 $0x8040, s14;
	s15 =	sor.u32 $0x40, s14;
	s14 =	sor.u32 $0x8000, s31  }
.LBB1_3:
0x22: {  	v0 =	vmov s15;
	_ =	sdelay $0x3  }
0x23: {  	s18 =	simm.s32 $0x0  }
0x24: {  	v6 =	vld.idx.msk [tilespmem:v0+s18+$0x30 ss:$0x1], $0xffff  }
0x25: {  	v7 =	vld.idx.msk [tilespmem:v0+s18+$0xFFFFFFC0 ss:$0x1], $0xffff  }
0x26: {  	v5 =	vld.idx.msk [tilespmem:v0+s18+$0xFFFFFFD0 ss:$0x1], $0xffff  }
0x27: {  	v4 =	vld.idx.msk [tilespmem:v0+s18+$0xFFFFFFE0 ss:$0x1], $0xffff  }
0x28: {  	v3 =	vld.idx.msk [tilespmem:v0+s18+$0xFFFFFFF0 ss:$0x1], $0xffff  }
0x29: {  	v1 =	vld.idx.msk [tilespmem:v0+s18+$0x0 ss:$0x1], $0xffff  }
0x2a: {  	v2 =	vld.idx.msk [tilespmem:v0+s18+$0x10 ss:$0x1], $0xffff;
	[tilespmem:s13+$0x30] =	vst v6  }
0x2b: {  	s17 =	simm.s32 $0x80;
	s19 =	simm.s32 $0x400;
	[tilespmem:s13+$0xFFFFFFC0] =	vst v7;
	v6 =	vld.idx.msk [tilespmem:v0+s18+$0x20 ss:$0x1], $0xffff;
	s18 =	smov.u32 s13  }
.LBB1_4:
0x2c: {  	p1 =	sne.s32 s19, $0xE00;
	v7 =	vld.idx.msk [tilespmem:v0+s17+$0x30 ss:$0x1], $0xffff;
	[tilespmem:s18+$0xFFFFFFD0] =	vst v5  }
0x2d: {  	v8 =	vld.idx.msk [tilespmem:v0+s17+$0xFFFFFFC0 ss:$0x1], $0xffff;
	[tilespmem:s18+$0xFFFFFFE0] =	vst v4  }
0x2e: {  	v5 =	vld.idx.msk [tilespmem:v0+s17+$0xFFFFFFD0 ss:$0x1], $0xffff;
	[tilespmem:s18+$0xFFFFFFF0] =	vst v3  }
.Ltmp3:
0x2f: {  	v4 =	vld.idx.msk [tilespmem:v0+s17+$0xFFFFFFE0 ss:$0x1], $0xffff;
	[tilespmem:s18+$0x0] =	vst v1;
	(pc) =	sbr.rel @p1 .LBB1_4-.Ltmp3, $4  }
0x30: {  	v3 =	vld.idx.msk [tilespmem:v0+s17+$0xFFFFFFF0 ss:$0x1], $0xffff;
	[tilespmem:s18+$0x10] =	vst v2  }
0x31: {  	v1 =	vld.idx.msk [tilespmem:v0+s17+$0x0 ss:$0x1], $0xffff;
	[tilespmem:s18+$0x20] =	vst v6;
	s18 =	sadd.s32 $0x800, s18  }
0x32: {  	v2 =	vld.idx.msk [tilespmem:v0+s17+$0x10 ss:$0x1], $0xffff;
	[tilespmem:s18+$0x30] =	vst v7  }
0x33: {  	[tilespmem:s18+$0xFFFFFFC0] =	vst v8;
	v6 =	vld.idx.msk [tilespmem:v0+s17+$0x20 ss:$0x1], $0xffff;
	s17 =	sshra.s32 s19, $0x2;
	s19 =	sadd.s32 $0x200, s19  }
0x34: {  	_ =	sdelay $0x2  }
0x35: {  	[tilespmem:s18+$0xFFFFFFD0] =	vst v5  }
0x36: {  	v56 =	vld.idx.msk [tilespmem:v0+s17+$0x30 ss:$0x1], $0xffff;
	[tilespmem:s18+$0xFFFFFFE0] =	vst v4  }
0x37: {  	v57 =	vld.idx.msk [tilespmem:v0+s17+$0xFFFFFFC0 ss:$0x1], $0xffff;
	[tilespmem:s18+$0xFFFFFFF0] =	vst v3  }
0x38: {  	v58 =	vld.idx.msk [tilespmem:v0+s17+$0xFFFFFFD0 ss:$0x1], $0xffff;
	[tilespmem:s18+$0x0] =	vst v1  }
0x39: {  	v59 =	vld.idx.msk [tilespmem:v0+s17+$0xFFFFFFE0 ss:$0x1], $0xffff;
	[tilespmem:s18+$0x10] =	vst v2  }
0x3a: {  	v60 =	vld.idx.msk [tilespmem:v0+s17+$0xFFFFFFF0 ss:$0x1], $0xffff;
	s31 =	sadd.s32 $0x800, s18;
	[tilespmem:s18+$0x20] =	vst v6  }
0x3b: {  	v61 =	vld.idx.msk [tilespmem:v0+s17+$0x0 ss:$0x1], $0xffff;
	[tilespmem:s31+$0x30] =	vst v56  }
0x3c: {  	v62 =	vld.idx.msk [tilespmem:v0+s17+$0x10 ss:$0x1], $0xffff;
	s16 =	sadd.s32 $0x1, s16;
	[tilespmem:s31+$0xFFFFFFC0] =	vst v57  }
0x3d: {  	v63 =	vld.idx.msk [tilespmem:v0+s17+$0x20 ss:$0x1], $0xffff;
	p1 =	sne.s32 s16, $0x10;
	[tilespmem:s31+$0xFFFFFFD0] =	vst v58  }
.Ltmp4:
0x3e: {  	[tilespmem:s31+$0xFFFFFFE0] =	vst v59;
	(pc) =	sbr.rel @p1 .LBB1_3-.Ltmp4, $4  }
0x3f: {  	[tilespmem:s31+$0xFFFFFFF0] =	vst v60  }
0x40: {  	[tilespmem:s31+$0x0] =	vst v61  }
0x41: {  	[tilespmem:s31+$0x10] =	vst v62  }
0x42: {  	s13 =	sadd.s32 $0x80, s13;
	s15 =	sadd.s32 $0x400, s15;
	[tilespmem:s31+$0x20] =	vst v63  }
.Ltmp5:
0x43: {  	(pc) =	sbr.rel .LBB1_7-.Ltmp5, $4  }
0x44: {  	s12 =	sshll.u32 s12, $0x11;
	s11 =	sshll.u32 s11, $0x4  }
0x45: {  	s11 =	sand.u32 $0x3FF0, s11;
	s12 =	sadd.s32 s2, s12  }
0x46: {  	s11 =	sadd.s32 s11, s12  }
0x47: {  	[hbm4b:s11+s6] =	stream.strided.scatter [tilespmem:s14], [sflag:$0x2], $0x4000, s7, s6, $0x38;
	[tilespmem:$0x10000] =	vst v63  }
.LBB1_8:
0x48: {  	_ =	sfence.sel $0x180000  }
0x49: {  	s2 =	simm.s32 $0x1;
	[bflag:$0x0] =	sbarrier.arrive $0xFFFF  }
0x4a: {  	s31 =	simm.s32 $0x2;
	[sflag:s2] =	ssyncpa.u1 $0x1  }
0x4b: {  	[sflag:s31] =	ssyncpa.u1 $0x1  }
0x4c: {  	p0 =	sne.s32 s1, $0x0;
	_ =	strace $0x90000047  }
0x4d: {  	s0 =	sadd.s32 @!p0 $0x100000, s0;
	[bflag:$0x2] =	sbarrier.arrive $0xFFFF  }
0x4e: {  	[sflag:s0] =	ssyncadd.tile.s32 @!p0 $0x1;
	_ =	shalt  }
.Lfunc_end1:
_tile_overlayer_lowered:
.L_overlay_start_2:
0x4f: {  	(tag) =	ssettag $0x2  }
0x50: {  	s0 =	rddreg [dreg:$0x0];
	s2 =	stileid.u32  }
0x51: {  	s1 =	rddreg [dreg:$0x1];
	p0 =	sne.s32 s2, $0x0  }
0x52: {  	s3 =	rddreg [dreg:$0x2];
	[bflag:$0x3] =	sbarrier.arrive $0xFFFF;
	s2 =	simm.s32 @!p0 $0x1C01  }
0x53: {  	[timem:s3], [sflag:s2] =	dma.local @!p0 [hbm:s0], s1  }
0x54: {  	s0 =	simm.s32 @!p0 $0x1  }
0x55: {  	_ =	swait.ge @!p0 [sflag:s0], s1  }
0x56: {  	s1 =	ssub.s32 @!p0 $0x0, s1;
	[sflag:s0] =	ssyncset.done @!p0 $0x0  }
0x57: {  	[sflag:s0] =	ssyncadd.s32 @!p0 s1  }
0x58: {  	[bflag:$0x3] =	sbarrier.arrive $0xFFFF  }
0x59: {  	_ =	shalt  }

</sc_bundles>
